<compile_context>
chip_gen: v7x
topology: tpu7x:2x2x1
jax: 0.10.2.dev20260603
libtpu: 0.0.44.dev20260713+nightly
codegen_flags: <defaults>
</compile_context>

<pallas_src>
import functools

import jax
import jax.numpy as jnp
from jax import lax
from jax.experimental import pallas as pl
from jax.experimental.pallas import tpu as pltpu
from jax.experimental.pallas import tpu_sc as plsc

_N = 10000
_NP = 10112
_NPG = _NP // 4
_E = 320000
_B = 128
_NW = 32
_NBLK = 80
_EW = _NBLK * _B
_EP = _NW * _EW
_RPS = _NP // 16
_F = 32


def _sc_mesh():
    return plsc.VectorSubcoreMesh(core_axis_name="c", subcore_axis_name="s")


def _make_conv():

    @functools.partial(
        pl.kernel,
        mesh=_sc_mesh(),
        compiler_params=pltpu.CompilerParams(use_tc_tiling_on_sc=False),
        out_type=jax.ShapeDtypeStruct((2, _NP, _F), jnp.float32),
        scratch_types=[
            pltpu.VMEM((_NBLK, _B), jnp.int32),
            pltpu.VMEM((_NBLK, _B), jnp.int32),
            pltpu.VMEM((2, _B, _F), jnp.float32),
            pltpu.VMEM_SHARED((_NP, _F), jnp.float32),
            pltpu.VMEM_SHARED((_NP, _F), jnp.float32),
            pltpu.SemaphoreType.DMA((2,)),
        ],
    )
    def conv(src_hbm, dst_hbm, hs_hbm, zeros_hbm, out_hbm,
             src_v, dst_v, rows_v, tab, acc, gsem):
        cid = lax.axis_index("c")
        sid = lax.axis_index("s")
        wid = cid * 16 + sid
        pltpu.sync_copy(src_hbm.at[wid], src_v)
        pltpu.sync_copy(dst_hbm.at[wid], dst_v)
        r0 = sid * _RPS
        pltpu.sync_copy(hs_hbm.at[pl.ds(r0, _RPS)], tab.at[pl.ds(r0, _RPS)])
        pltpu.sync_copy(zeros_hbm.at[pl.ds(r0, _RPS)], acc.at[pl.ds(r0, _RPS)])
        plsc.subcore_barrier()

        pltpu.async_copy(tab.at[src_v.at[0]], rows_v.at[0], gsem.at[0])

        def body(j, carry):
            for b in range(2):
                blk = j * 2 + b
                nxt = blk + 1
                pltpu.async_copy(tab.at[src_v.at[jnp.minimum(nxt, _NBLK - 1)]],
                                 rows_v.at[1 - b], gsem.at[1 - b])
                pltpu.make_async_copy(tab.at[src_v.at[blk]], rows_v.at[b],
                                      gsem.at[b]).wait()
                pltpu.sync_copy(rows_v.at[b], acc.at[dst_v.at[blk]], add=True)
            return carry

        lax.fori_loop(0, _NBLK // 2, body, 0)
        pltpu.make_async_copy(tab.at[src_v.at[0]], rows_v.at[0],
                              gsem.at[0]).wait()
        plsc.subcore_barrier()
        pltpu.sync_copy(acc.at[pl.ds(r0, _RPS)],
                        out_hbm.at[cid, pl.ds(r0, _RPS)])

    return conv


def _make_deg():

    @functools.partial(
        pl.kernel,
        mesh=_sc_mesh(),
        compiler_params=pltpu.CompilerParams(use_tc_tiling_on_sc=False),
        out_type=jax.ShapeDtypeStruct((2, _NP, _F), jnp.float32),
        scratch_types=[
            pltpu.VMEM((_NBLK, _B), jnp.int32),
            pltpu.VMEM((_B, _F), jnp.float32),
            pltpu.VMEM_SHARED((_NP, _F), jnp.float32),
            pltpu.SemaphoreType.DMA,
        ],
    )
    def deg(dst_hbm, ones_hbm, zeros_hbm, out_hbm, dst_v, ones_v, acc, sem):
        cid = lax.axis_index("c")
        sid = lax.axis_index("s")
        wid = cid * 16 + sid
        pltpu.sync_copy(dst_hbm.at[wid], dst_v)
        pltpu.sync_copy(ones_hbm, ones_v)
        r0 = sid * _RPS
        pltpu.sync_copy(zeros_hbm.at[pl.ds(r0, _RPS)], acc.at[pl.ds(r0, _RPS)])
        plsc.subcore_barrier()

        def body(j, carry):
            pltpu.async_copy(ones_v, acc.at[dst_v.at[j]], sem, add=True)
            return carry

        lax.fori_loop(0, _NBLK, body, 0)

        def drain(j, carry):
            pltpu.make_async_copy(ones_v, acc.at[dst_v.at[j]], sem).wait()
            return carry

        lax.fori_loop(0, _NBLK, drain, 0)
        plsc.subcore_barrier()
        pltpu.sync_copy(acc.at[pl.ds(r0, _RPS)],
                        out_hbm.at[cid, pl.ds(r0, _RPS)])

    return deg


def _tc_pre(degp, x4, W1k):

    def body(degp_ref, x_ref, w_ref, dinv_ref, h1_ref, hs1_ref):
        d = degp_ref[...]
        dinv = lax.rsqrt(d[0] + d[1] + 1.0)
        h1 = jnp.dot(x_ref[...], w_ref[...], preferred_element_type=jnp.float32)
        dinv_ref[...] = dinv
        h1_ref[...] = h1
        hs1_ref[...] = h1 * dinv

    return pl.pallas_call(
        body,
        out_shape=(
            jax.ShapeDtypeStruct((_NPG, 128), jnp.float32),
            jax.ShapeDtypeStruct((_NPG, 128), jnp.float32),
            jax.ShapeDtypeStruct((_NPG, 128), jnp.float32),
        ),
    )(degp, x4, W1k)


def _tc_mid(sp, h, dinv, bt, Wk):

    def body(s_ref, h_ref, dinv_ref, b_ref, w_ref, h2_ref, hs2_ref):
        s = s_ref[...]
        dinv = dinv_ref[...]
        agg = dinv * (s[0] + s[1]) + (dinv * dinv) * h_ref[...] + b_ref[...]
        hr = jnp.maximum(agg, 0.0)
        h2 = jnp.dot(hr, w_ref[...], preferred_element_type=jnp.float32)
        h2_ref[...] = h2
        hs2_ref[...] = h2 * dinv

    return pl.pallas_call(
        body,
        out_shape=(
            jax.ShapeDtypeStruct((_NPG, 128), jnp.float32),
            jax.ShapeDtypeStruct((_NPG, 128), jnp.float32),
        ),
    )(sp, h, dinv, bt, Wk)


def _tc_post(sp, h, dinv, bt, L1k, l1bt, L2k, l2bt):

    def body(s_ref, h_ref, dinv_ref, b_ref, w1_ref, b1_ref, w2_ref, b2_ref,
             out_ref):
        s = s_ref[...]
        dinv = dinv_ref[...]
        agg = dinv * (s[0] + s[1]) + (dinv * dinv) * h_ref[...] + b_ref[...]
        t = jnp.dot(agg, w1_ref[...], preferred_element_type=jnp.float32)
        t = jnp.maximum(t + b1_ref[...], 0.0)
        out = jnp.dot(t, w2_ref[...], preferred_element_type=jnp.float32)
        out_ref[...] = out + b2_ref[...]

    return pl.pallas_call(
        body,
        out_shape=jax.ShapeDtypeStruct((_NPG, 4), jnp.float32),
    )(sp, h, dinv, bt, L1k, l1bt, L2k, l2bt)


def kernel(x, edge_index, W1, b1, W2, b2, W3, b3, lin1_W, lin1_b, lin2_W,
           lin2_b):
    f32 = jnp.float32
    pad = jnp.full((2, _EP - _E), _N, jnp.int32)
    ei = jnp.concatenate([edge_index.astype(jnp.int32), pad], axis=1)
    src3 = ei[0].reshape(_NW, _NBLK, _B)
    dst3 = ei[1].reshape(_NW, _NBLK, _B)
    xp = jnp.pad(x, ((0, _NP - _N), (0, 0)))
    x4 = xp.reshape(_NPG, 512)
    z32 = jnp.zeros((_NP, _F), f32)
    ones = jnp.ones((_B, _F), f32)
    eye4 = jnp.eye(4, dtype=f32)

    W1k = jnp.kron(eye4, W1)
    W2k = jnp.kron(eye4, jnp.pad(W2, ((0, 0), (0, 16))))
    W3k = jnp.kron(eye4, jnp.pad(W3, ((0, 16), (0, 16))))
    L1k = jnp.kron(eye4, jnp.pad(lin1_W, ((0, 16), (0, 0))))
    L2k = jnp.kron(eye4, lin2_W)
    b1t = jnp.tile(b1, 4)[None]
    b2t = jnp.tile(jnp.pad(b2, (0, 16)), 4)[None]
    b3t = jnp.tile(jnp.pad(b3, (0, 16)), 4)[None]
    l1bt = jnp.tile(lin1_b, 4)[None]
    l2bt = jnp.tile(lin2_b, 4)[None]

    conv = _make_conv()
    degp = _make_deg()(dst3, ones, z32)
    dinv, h1, hs1 = _tc_pre(degp.reshape(2, _NPG, 128), x4, W1k)
    s1 = conv(src3, dst3, hs1.reshape(_NP, _F), z32)
    h2, hs2 = _tc_mid(s1.reshape(2, _NPG, 128), h1, dinv, b1t, W2k)
    s2 = conv(src3, dst3, hs2.reshape(_NP, _F), z32)
    h3, hs3 = _tc_mid(s2.reshape(2, _NPG, 128), h2, dinv, b2t, W3k)
    s3 = conv(src3, dst3, hs3.reshape(_NP, _F), z32)
    out4 = _tc_post(s3.reshape(2, _NPG, 128), h3, dinv, b3t,
                    L1k, l1bt, L2k, l2bt)
    return out4.reshape(_NP, 1)[:_N]

# --- scband reference (transcript-rebuilt; emitter-appended) ---
"""Pipeline reference for scband-gcnsingle-architecture-42021960024098 (READ-ONLY COPY).

The authoritative reference and input builder live on the scoring server;
editing this copy changes nothing except your own understanding.
"""

import jax, jax.numpy as jnp
import numpy as np

N = 10000
E = 320000
D_IN = 128


def setup_inputs(seed: int = 0) -> dict:
    key = jax.random.key(seed)
    ks = jax.random.split(key, 12)
    x = jax.random.normal(ks[0], (N, D_IN), dtype=jnp.float32)
    edge_index = jax.random.randint(ks[1], (2, E), 0, N, dtype=jnp.int32)

    def glorot(k, shape):
        fan_in, fan_out = shape
        s = np.sqrt(6.0 / (fan_in + fan_out))
        return jax.random.uniform(k, shape, dtype=jnp.float32, minval=-s, maxval=s)

    W1 = glorot(ks[2], (D_IN, 32)); b1 = jnp.zeros((32,), jnp.float32)
    W2 = glorot(ks[3], (32, 16));   b2 = jnp.zeros((16,), jnp.float32)
    W3 = glorot(ks[4], (16, 16));   b3 = jnp.zeros((16,), jnp.float32)
    lin1_W = glorot(ks[5], (16, 8)); lin1_b = jnp.zeros((8,), jnp.float32)
    lin2_W = glorot(ks[6], (8, 1));  lin2_b = jnp.zeros((1,), jnp.float32)
    return {
        'x': x, 'edge_index': edge_index,
        'W1': W1, 'b1': b1, 'W2': W2, 'b2': b2, 'W3': W3, 'b3': b3,
        'lin1_W': lin1_W, 'lin1_b': lin1_b, 'lin2_W': lin2_W, 'lin2_b': lin2_b,
    }


def _gcn_norm(edge_index, n):
    # add self loops (GCNConv default)
    loop = jnp.arange(n, dtype=edge_index.dtype)
    src = jnp.concatenate([edge_index[0], loop])
    dst = jnp.concatenate([edge_index[1], loop])
    deg = jnp.zeros((n,), jnp.float32).at[dst].add(1.0)
    dinv = jnp.where(deg > 0, 1.0 / jnp.sqrt(deg), 0.0)
    norm = dinv[src] * dinv[dst]
    return src, dst, norm


def _gcn_conv(x, src, dst, norm, W, b, n):
    h = x @ W
    msg = h[src] * norm[:, None]
    agg = jnp.zeros((n, h.shape[1]), h.dtype).at[dst].add(msg)
    return agg + b


def reference(x, edge_index, W1, b1, W2, b2, W3, b3, lin1_W, lin1_b, lin2_W, lin2_b):
    n = x.shape[0]
    src, dst, norm = _gcn_norm(edge_index, n)
    h = jax.nn.relu(_gcn_conv(x, src, dst, norm, W1, b1, n))
    h = jax.nn.relu(_gcn_conv(h, src, dst, norm, W2, b2, n))
    h = _gcn_conv(h, src, dst, norm, W3, b3, n)
    h = jax.nn.relu(h @ lin1_W + lin1_b)
    out = h @ lin2_W + lin2_b
    return out

if __name__ == "__main__":
    import jax
    _d = setup_inputs()
    print(jax.jit(kernel)(*tuple(_d.values())))

</pallas_src>

<mosaic_0001>
#map = affine_map<(d0, d1) -> (0, 0, 0)>
#map1 = affine_map<(d0, d1) -> (0, 0)>
module attributes {stable_mosaic.version = 14 : i64} {
  func.func @deg(%arg0: i32, %arg1: i32, %arg2: memref<32x80x128xi32, #tpu.memory_space<hbm>>, %arg3: memref<128x32xf32, #tpu.memory_space<hbm>>, %arg4: memref<10112x32xf32, #tpu.memory_space<hbm>>, %arg5: memref<2x10112x32xf32, #tpu.memory_space<hbm>>, %arg6: memref<80x128xi32, #tpu.memory_space<vmem>>, %arg7: memref<128x32xf32, #tpu.memory_space<vmem>>, %arg8: memref<10112x32xf32, #tpu.memory_space<vmem_shared>>, %arg9: memref<!tpu.dma_semaphore, #tpu.memory_space<semaphore_mem>>) attributes {dimension_semantics = [#tpu.dimension_semantics<core_parallel>, #tpu.dimension_semantics<subcore_parallel>], iteration_bounds = array<i64: 2, 16>, scalar_prefetch = 0 : i64, scratch_operands = 4 : i64, tpu.core_type = #tpu.core_type<sc_vector_subcore>, window_params = [{transform_indices = #map}, {transform_indices = #map1}, {transform_indices = #map1}, {transform_indices = #map}]} {
    %mul3A = arith.constant 16 : i32
    %mul3A_0 = arith.muli %arg0, %mul3A : i32
    %add3A = arith.addi %mul3A_0, %arg1 : i32
    "tpu.region"() ({
      %run_scoped3A = tpu.sem_alloc : memref<!tpu.dma_semaphore, #tpu.memory_space<semaphore_mem>>
      %dma_start3A = arith.constant 0 : i32
      %dma_start3A_15 = arith.constant 0 : i32
      %dma_start3A_16 = tpu.memref_slice %arg2[%add3A, %dma_start3A, %dma_start3A_15] : memref<32x80x128xi32, #tpu.memory_space<hbm>> -> memref<1x80x128xi32, #tpu.memory_space<hbm>>
      %dma_start3A_17 = tpu.memref_squeeze %dma_start3A_16 : memref<1x80x128xi32, #tpu.memory_space<hbm>> -> memref<80x128xi32, #tpu.memory_space<hbm>>
      %dma_start3A_18 = arith.constant 0 : i32
      %dma_start3A_19 = arith.constant 0 : i32
      %dma_start3A_20 = tpu.memref_slice %arg2[%add3A, %dma_start3A_18, %dma_start3A_19] : memref<32x80x128xi32, #tpu.memory_space<hbm>> -> memref<1x80x128xi32, #tpu.memory_space<hbm>>
      %dma_start3A_21 = tpu.memref_squeeze %dma_start3A_20 : memref<1x80x128xi32, #tpu.memory_space<hbm>> -> memref<80x128xi32, #tpu.memory_space<hbm>>
      tpu.enqueue_dma source(%dma_start3A_21 : memref<80x128xi32, #tpu.memory_space<hbm>>) target(%arg6 : memref<80x128xi32, #tpu.memory_space<vmem>>) target_semaphore(%run_scoped3A : memref<!tpu.dma_semaphore, #tpu.memory_space<semaphore_mem>>)
      %dma_wait3A = arith.constant 0 : i32
      %dma_wait3A_22 = arith.constant 0 : i32
      %dma_wait3A_23 = tpu.memref_slice %arg2[%add3A, %dma_wait3A, %dma_wait3A_22] : memref<32x80x128xi32, #tpu.memory_space<hbm>> -> memref<1x80x128xi32, #tpu.memory_space<hbm>>
      %dma_wait3A_24 = tpu.memref_squeeze %dma_wait3A_23 : memref<1x80x128xi32, #tpu.memory_space<hbm>> -> memref<80x128xi32, #tpu.memory_space<hbm>>
      %dma_wait3A_25 = arith.constant 0 : i32
      %dma_wait3A_26 = arith.constant 0 : i32
      %dma_wait3A_27 = tpu.memref_slice %arg2[%add3A, %dma_wait3A_25, %dma_wait3A_26] : memref<32x80x128xi32, #tpu.memory_space<hbm>> -> memref<1x80x128xi32, #tpu.memory_space<hbm>>
      %dma_wait3A_28 = tpu.memref_squeeze %dma_wait3A_27 : memref<1x80x128xi32, #tpu.memory_space<hbm>> -> memref<80x128xi32, #tpu.memory_space<hbm>>
      tpu.wait_dma2 semaphore(%run_scoped3A : memref<!tpu.dma_semaphore, #tpu.memory_space<semaphore_mem>>) src(%dma_wait3A_28 : memref<80x128xi32, #tpu.memory_space<hbm>>) dst(%arg6 : memref<80x128xi32, #tpu.memory_space<vmem>>)
      tpu.yield
    }) : () -> ()
    "tpu.region"() ({
      %run_scoped3A = tpu.sem_alloc : memref<!tpu.dma_semaphore, #tpu.memory_space<semaphore_mem>>
      tpu.enqueue_dma source(%arg3 : memref<128x32xf32, #tpu.memory_space<hbm>>) target(%arg7 : memref<128x32xf32, #tpu.memory_space<vmem>>) target_semaphore(%run_scoped3A : memref<!tpu.dma_semaphore, #tpu.memory_space<semaphore_mem>>)
      tpu.wait_dma2 semaphore(%run_scoped3A : memref<!tpu.dma_semaphore, #tpu.memory_space<semaphore_mem>>) src(%arg3 : memref<128x32xf32, #tpu.memory_space<hbm>>) dst(%arg7 : memref<128x32xf32, #tpu.memory_space<vmem>>)
      tpu.yield
    }) : () -> ()
    %mul3A_1 = arith.constant 632 : i32
    %mul3A_2 = arith.muli %arg1, %mul3A_1 : i32
    "tpu.region"() ({
      %run_scoped3A = tpu.sem_alloc : memref<!tpu.dma_semaphore, #tpu.memory_space<semaphore_mem>>
      %dma_start3A = arith.constant 0 : i32
      %dma_start3A_15 = tpu.memref_slice %arg8[%mul3A_2, %dma_start3A] : memref<10112x32xf32, #tpu.memory_space<vmem_shared>> -> memref<632x32xf32, #tpu.memory_space<vmem_shared>>
      %dma_start3A_16 = arith.constant 0 : i32
      %dma_start3A_17 = tpu.memref_slice %arg4[%mul3A_2, %dma_start3A_16] : memref<10112x32xf32, #tpu.memory_space<hbm>> -> memref<632x32xf32, #tpu.memory_space<hbm>>
      tpu.enqueue_dma source(%dma_start3A_17 : memref<632x32xf32, #tpu.memory_space<hbm>>) target(%dma_start3A_15 : memref<632x32xf32, #tpu.memory_space<vmem_shared>>) target_semaphore(%run_scoped3A : memref<!tpu.dma_semaphore, #tpu.memory_space<semaphore_mem>>)
      %dma_wait3A = arith.constant 0 : i32
      %dma_wait3A_18 = tpu.memref_slice %arg8[%mul3A_2, %dma_wait3A] : memref<10112x32xf32, #tpu.memory_space<vmem_shared>> -> memref<632x32xf32, #tpu.memory_space<vmem_shared>>
      %dma_wait3A_19 = arith.constant 0 : i32
      %dma_wait3A_20 = tpu.memref_slice %arg4[%mul3A_2, %dma_wait3A_19] : memref<10112x32xf32, #tpu.memory_space<hbm>> -> memref<632x32xf32, #tpu.memory_space<hbm>>
      tpu.wait_dma2 semaphore(%run_scoped3A : memref<!tpu.dma_semaphore, #tpu.memory_space<semaphore_mem>>) src(%dma_wait3A_20 : memref<632x32xf32, #tpu.memory_space<hbm>>) dst(%dma_wait3A_18 : memref<632x32xf32, #tpu.memory_space<vmem_shared>>)
      tpu.yield
    }) : () -> ()
    %barrier3A = arith.constant 0 : index
    tpu.barrier barrier_id(%barrier3A)
    %scan3A = arith.constant 0 : i32
    %scan3A_3 = arith.constant 0 : i32
    %scan3A_4 = arith.constant 80 : i32
    %scan3A_5 = arith.addi %scan3A_3, %scan3A_4 : i32
    %scan3A_6 = arith.constant 1 : i32
    scf.for %scan3A_15 = %scan3A_3 to %scan3A_5 step %scan3A_6  : i32 {
      %dma_start3A = arith.constant 0 : i32
      %dma_start3A_16 = tpu.memref_slice %arg6[%scan3A_15, %dma_start3A] : memref<80x128xi32, #tpu.memory_space<vmem>> -> memref<1x128xi32, #tpu.memory_space<vmem>>
      %dma_start3A_17 = tpu.memref_squeeze %dma_start3A_16 : memref<1x128xi32, #tpu.memory_space<vmem>> -> memref<128xi32, #tpu.memory_space<vmem>>
      %dma_start3A_18 = arith.constant 0 : i32
      %dma_start3A_19 = arith.constant 0 : i32
      %dma_start3A_20 = tpu.memref_slice %arg8[%dma_start3A_18, %dma_start3A_19] : memref<10112x32xf32, #tpu.memory_space<vmem_shared>> -> memref<10112x32xf32, #tpu.memory_space<vmem_shared>>
      tpu.enqueue_indirect_dma source(%arg7 : memref<128x32xf32, #tpu.memory_space<vmem>>) target(%dma_start3A_20 : memref<10112x32xf32, #tpu.memory_space<vmem_shared>>) offsets(%dma_start3A_17 : memref<128xi32, #tpu.memory_space<vmem>>) semaphore(%arg9 : memref<!tpu.dma_semaphore, #tpu.memory_space<semaphore_mem>>) {add = true}
    }
    %scan3A_7 = arith.constant 80 : i32
    %scan3A_8 = arith.constant 0 : i32
    %scan3A_9 = arith.constant 0 : i32
    %scan3A_10 = arith.constant 80 : i32
    %scan3A_11 = arith.addi %scan3A_9, %scan3A_10 : i32
    %scan3A_12 = arith.constant 1 : i32
    scf.for %scan3A_15 = %scan3A_9 to %scan3A_11 step %scan3A_12  : i32 {
      %dma_wait3A = arith.constant 0 : i32
      %dma_wait3A_16 = tpu.memref_slice %arg6[%scan3A_15, %dma_wait3A] : memref<80x128xi32, #tpu.memory_space<vmem>> -> memref<1x128xi32, #tpu.memory_space<vmem>>
      %dma_wait3A_17 = tpu.memref_squeeze %dma_wait3A_16 : memref<1x128xi32, #tpu.memory_space<vmem>> -> memref<128xi32, #tpu.memory_space<vmem>>
      %dma_wait3A_18 = arith.constant 0 : i32
      %dma_wait3A_19 = arith.constant 0 : i32
      %dma_wait3A_20 = tpu.memref_slice %arg8[%dma_wait3A_18, %dma_wait3A_19] : memref<10112x32xf32, #tpu.memory_space<vmem_shared>> -> memref<10112x32xf32, #tpu.memory_space<vmem_shared>>
      tpu.wait_indirect_dma semaphore(%arg9 : memref<!tpu.dma_semaphore, #tpu.memory_space<semaphore_mem>>) src(%arg7 : memref<128x32xf32, #tpu.memory_space<vmem>>) dst(%dma_wait3A_20 : memref<10112x32xf32, #tpu.memory_space<vmem_shared>>)
    }
    %scan3A_13 = arith.constant 80 : i32
    %barrier3A_14 = arith.constant 0 : index
    tpu.barrier barrier_id(%barrier3A_14)
    "tpu.region"() ({
      %run_scoped3A = tpu.sem_alloc : memref<!tpu.dma_semaphore, #tpu.memory_space<semaphore_mem>>
      %dma_start3A = arith.constant 0 : i32
      %dma_start3A_15 = tpu.memref_slice %arg5[%arg0, %mul3A_2, %dma_start3A] : memref<2x10112x32xf32, #tpu.memory_space<hbm>> -> memref<1x632x32xf32, #tpu.memory_space<hbm>>
      %dma_start3A_16 = tpu.memref_squeeze %dma_start3A_15 : memref<1x632x32xf32, #tpu.memory_space<hbm>> -> memref<632x32xf32, #tpu.memory_space<hbm>>
      %dma_start3A_17 = arith.constant 0 : i32
      %dma_start3A_18 = tpu.memref_slice %arg8[%mul3A_2, %dma_start3A_17] : memref<10112x32xf32, #tpu.memory_space<vmem_shared>> -> memref<632x32xf32, #tpu.memory_space<vmem_shared>>
      tpu.enqueue_dma source(%dma_start3A_18 : memref<632x32xf32, #tpu.memory_space<vmem_shared>>) target(%dma_start3A_16 : memref<632x32xf32, #tpu.memory_space<hbm>>) target_semaphore(%run_scoped3A : memref<!tpu.dma_semaphore, #tpu.memory_space<semaphore_mem>>)
      %dma_wait3A = arith.constant 0 : i32
      %dma_wait3A_19 = tpu.memref_slice %arg5[%arg0, %mul3A_2, %dma_wait3A] : memref<2x10112x32xf32, #tpu.memory_space<hbm>> -> memref<1x632x32xf32, #tpu.memory_space<hbm>>
      %dma_wait3A_20 = tpu.memref_squeeze %dma_wait3A_19 : memref<1x632x32xf32, #tpu.memory_space<hbm>> -> memref<632x32xf32, #tpu.memory_space<hbm>>
      %dma_wait3A_21 = arith.constant 0 : i32
      %dma_wait3A_22 = tpu.memref_slice %arg8[%mul3A_2, %dma_wait3A_21] : memref<10112x32xf32, #tpu.memory_space<vmem_shared>> -> memref<632x32xf32, #tpu.memory_space<vmem_shared>>
      tpu.wait_dma2 semaphore(%run_scoped3A : memref<!tpu.dma_semaphore, #tpu.memory_space<semaphore_mem>>) src(%dma_wait3A_22 : memref<632x32xf32, #tpu.memory_space<vmem_shared>>) dst(%dma_wait3A_20 : memref<632x32xf32, #tpu.memory_space<hbm>>)
      tpu.yield
    }) : () -> ()
    return
  }
}

#map = affine_map<(d0, d1) -> (0, 0, 0)>
#map1 = affine_map<(d0, d1) -> (0, 0)>
module attributes {stable_mosaic.version = 14 : i64} {
  func.func @conv(%arg0: i32, %arg1: i32, %arg2: memref<32x80x128xi32, #tpu.memory_space<hbm>>, %arg3: memref<32x80x128xi32, #tpu.memory_space<hbm>>, %arg4: memref<10112x32xf32, #tpu.memory_space<hbm>>, %arg5: memref<10112x32xf32, #tpu.memory_space<hbm>>, %arg6: memref<2x10112x32xf32, #tpu.memory_space<hbm>>, %arg7: memref<80x128xi32, #tpu.memory_space<vmem>>, %arg8: memref<80x128xi32, #tpu.memory_space<vmem>>, %arg9: memref<2x128x32xf32, #tpu.memory_space<vmem>>, %arg10: memref<10112x32xf32, #tpu.memory_space<vmem_shared>>, %arg11: memref<10112x32xf32, #tpu.memory_space<vmem_shared>>, %arg12: memref<2x!tpu.dma_semaphore, #tpu.memory_space<semaphore_mem>>) attributes {dimension_semantics = [#tpu.dimension_semantics<core_parallel>, #tpu.dimension_semantics<subcore_parallel>], iteration_bounds = array<i64: 2, 16>, scalar_prefetch = 0 : i64, scratch_operands = 6 : i64, tpu.core_type = #tpu.core_type<sc_vector_subcore>, window_params = [{transform_indices = #map}, {transform_indices = #map}, {transform_indices = #map1}, {transform_indices = #map1}, {transform_indices = #map}]} {
    %mul3A = arith.constant 16 : i32
    %mul3A_0 = arith.muli %arg0, %mul3A : i32
    %add3A = arith.addi %mul3A_0, %arg1 : i32
    "tpu.region"() ({
      %run_scoped3A = tpu.sem_alloc : memref<!tpu.dma_semaphore, #tpu.memory_space<semaphore_mem>>
      %dma_start3A_37 = arith.constant 0 : i32
      %dma_start3A_38 = arith.constant 0 : i32
      %dma_start3A_39 = tpu.memref_slice %arg2[%add3A, %dma_start3A_37, %dma_start3A_38] : memref<32x80x128xi32, #tpu.memory_space<hbm>> -> memref<1x80x128xi32, #tpu.memory_space<hbm>>
      %dma_start3A_40 = tpu.memref_squeeze %dma_start3A_39 : memref<1x80x128xi32, #tpu.memory_space<hbm>> -> memref<80x128xi32, #tpu.memory_space<hbm>>
      %dma_start3A_41 = arith.constant 0 : i32
      %dma_start3A_42 = arith.constant 0 : i32
      %dma_start3A_43 = tpu.memref_slice %arg2[%add3A, %dma_start3A_41, %dma_start3A_42] : memref<32x80x128xi32, #tpu.memory_space<hbm>> -> memref<1x80x128xi32, #tpu.memory_space<hbm>>
      %dma_start3A_44 = tpu.memref_squeeze %dma_start3A_43 : memref<1x80x128xi32, #tpu.memory_space<hbm>> -> memref<80x128xi32, #tpu.memory_space<hbm>>
      tpu.enqueue_dma source(%dma_start3A_44 : memref<80x128xi32, #tpu.memory_space<hbm>>) target(%arg7 : memref<80x128xi32, #tpu.memory_space<vmem>>) target_semaphore(%run_scoped3A : memref<!tpu.dma_semaphore, #tpu.memory_space<semaphore_mem>>)
      %dma_wait3A_45 = arith.constant 0 : i32
      %dma_wait3A_46 = arith.constant 0 : i32
      %dma_wait3A_47 = tpu.memref_slice %arg2[%add3A, %dma_wait3A_45, %dma_wait3A_46] : memref<32x80x128xi32, #tpu.memory_space<hbm>> -> memref<1x80x128xi32, #tpu.memory_space<hbm>>
      %dma_wait3A_48 = tpu.memref_squeeze %dma_wait3A_47 : memref<1x80x128xi32, #tpu.memory_space<hbm>> -> memref<80x128xi32, #tpu.memory_space<hbm>>
      %dma_wait3A_49 = arith.constant 0 : i32
      %dma_wait3A_50 = arith.constant 0 : i32
      %dma_wait3A_51 = tpu.memref_slice %arg2[%add3A, %dma_wait3A_49, %dma_wait3A_50] : memref<32x80x128xi32, #tpu.memory_space<hbm>> -> memref<1x80x128xi32, #tpu.memory_space<hbm>>
      %dma_wait3A_52 = tpu.memref_squeeze %dma_wait3A_51 : memref<1x80x128xi32, #tpu.memory_space<hbm>> -> memref<80x128xi32, #tpu.memory_space<hbm>>
      tpu.wait_dma2 semaphore(%run_scoped3A : memref<!tpu.dma_semaphore, #tpu.memory_space<semaphore_mem>>) src(%dma_wait3A_52 : memref<80x128xi32, #tpu.memory_space<hbm>>) dst(%arg7 : memref<80x128xi32, #tpu.memory_space<vmem>>)
      tpu.yield
    }) : () -> ()
    "tpu.region"() ({
      %run_scoped3A = tpu.sem_alloc : memref<!tpu.dma_semaphore, #tpu.memory_space<semaphore_mem>>
      %dma_start3A_37 = arith.constant 0 : i32
      %dma_start3A_38 = arith.constant 0 : i32
      %dma_start3A_39 = tpu.memref_slice %arg3[%add3A, %dma_start3A_37, %dma_start3A_38] : memref<32x80x128xi32, #tpu.memory_space<hbm>> -> memref<1x80x128xi32, #tpu.memory_space<hbm>>
      %dma_start3A_40 = tpu.memref_squeeze %dma_start3A_39 : memref<1x80x128xi32, #tpu.memory_space<hbm>> -> memref<80x128xi32, #tpu.memory_space<hbm>>
      %dma_start3A_41 = arith.constant 0 : i32
      %dma_start3A_42 = arith.constant 0 : i32
      %dma_start3A_43 = tpu.memref_slice %arg3[%add3A, %dma_start3A_41, %dma_start3A_42] : memref<32x80x128xi32, #tpu.memory_space<hbm>> -> memref<1x80x128xi32, #tpu.memory_space<hbm>>
      %dma_start3A_44 = tpu.memref_squeeze %dma_start3A_43 : memref<1x80x128xi32, #tpu.memory_space<hbm>> -> memref<80x128xi32, #tpu.memory_space<hbm>>
      tpu.enqueue_dma source(%dma_start3A_44 : memref<80x128xi32, #tpu.memory_space<hbm>>) target(%arg8 : memref<80x128xi32, #tpu.memory_space<vmem>>) target_semaphore(%run_scoped3A : memref<!tpu.dma_semaphore, #tpu.memory_space<semaphore_mem>>)
      %dma_wait3A_45 = arith.constant 0 : i32
      %dma_wait3A_46 = arith.constant 0 : i32
      %dma_wait3A_47 = tpu.memref_slice %arg3[%add3A, %dma_wait3A_45, %dma_wait3A_46] : memref<32x80x128xi32, #tpu.memory_space<hbm>> -> memref<1x80x128xi32, #tpu.memory_space<hbm>>
      %dma_wait3A_48 = tpu.memref_squeeze %dma_wait3A_47 : memref<1x80x128xi32, #tpu.memory_space<hbm>> -> memref<80x128xi32, #tpu.memory_space<hbm>>
      %dma_wait3A_49 = arith.constant 0 : i32
      %dma_wait3A_50 = arith.constant 0 : i32
      %dma_wait3A_51 = tpu.memref_slice %arg3[%add3A, %dma_wait3A_49, %dma_wait3A_50] : memref<32x80x128xi32, #tpu.memory_space<hbm>> -> memref<1x80x128xi32, #tpu.memory_space<hbm>>
      %dma_wait3A_52 = tpu.memref_squeeze %dma_wait3A_51 : memref<1x80x128xi32, #tpu.memory_space<hbm>> -> memref<80x128xi32, #tpu.memory_space<hbm>>
      tpu.wait_dma2 semaphore(%run_scoped3A : memref<!tpu.dma_semaphore, #tpu.memory_space<semaphore_mem>>) src(%dma_wait3A_52 : memref<80x128xi32, #tpu.memory_space<hbm>>) dst(%arg8 : memref<80x128xi32, #tpu.memory_space<vmem>>)
      tpu.yield
    }) : () -> ()
    %mul3A_1 = arith.constant 632 : i32
    %mul3A_2 = arith.muli %arg1, %mul3A_1 : i32
    "tpu.region"() ({
      %run_scoped3A = tpu.sem_alloc : memref<!tpu.dma_semaphore, #tpu.memory_space<semaphore_mem>>
      %dma_start3A_37 = arith.constant 0 : i32
      %dma_start3A_38 = tpu.memref_slice %arg10[%mul3A_2, %dma_start3A_37] : memref<10112x32xf32, #tpu.memory_space<vmem_shared>> -> memref<632x32xf32, #tpu.memory_space<vmem_shared>>
      %dma_start3A_39 = arith.constant 0 : i32
      %dma_start3A_40 = tpu.memref_slice %arg4[%mul3A_2, %dma_start3A_39] : memref<10112x32xf32, #tpu.memory_space<hbm>> -> memref<632x32xf32, #tpu.memory_space<hbm>>
      tpu.enqueue_dma source(%dma_start3A_40 : memref<632x32xf32, #tpu.memory_space<hbm>>) target(%dma_start3A_38 : memref<632x32xf32, #tpu.memory_space<vmem_shared>>) target_semaphore(%run_scoped3A : memref<!tpu.dma_semaphore, #tpu.memory_space<semaphore_mem>>)
      %dma_wait3A_41 = arith.constant 0 : i32
      %dma_wait3A_42 = tpu.memref_slice %arg10[%mul3A_2, %dma_wait3A_41] : memref<10112x32xf32, #tpu.memory_space<vmem_shared>> -> memref<632x32xf32, #tpu.memory_space<vmem_shared>>
      %dma_wait3A_43 = arith.constant 0 : i32
      %dma_wait3A_44 = tpu.memref_slice %arg4[%mul3A_2, %dma_wait3A_43] : memref<10112x32xf32, #tpu.memory_space<hbm>> -> memref<632x32xf32, #tpu.memory_space<hbm>>
      tpu.wait_dma2 semaphore(%run_scoped3A : memref<!tpu.dma_semaphore, #tpu.memory_space<semaphore_mem>>) src(%dma_wait3A_44 : memref<632x32xf32, #tpu.memory_space<hbm>>) dst(%dma_wait3A_42 : memref<632x32xf32, #tpu.memory_space<vmem_shared>>)
      tpu.yield
    }) : () -> ()
    "tpu.region"() ({
      %run_scoped3A = tpu.sem_alloc : memref<!tpu.dma_semaphore, #tpu.memory_space<semaphore_mem>>
      %dma_start3A_37 = arith.constant 0 : i32
      %dma_start3A_38 = tpu.memref_slice %arg11[%mul3A_2, %dma_start3A_37] : memref<10112x32xf32, #tpu.memory_space<vmem_shared>> -> memref<632x32xf32, #tpu.memory_space<vmem_shared>>
      %dma_start3A_39 = arith.constant 0 : i32
      %dma_start3A_40 = tpu.memref_slice %arg5[%mul3A_2, %dma_start3A_39] : memref<10112x32xf32, #tpu.memory_space<hbm>> -> memref<632x32xf32, #tpu.memory_space<hbm>>
      tpu.enqueue_dma source(%dma_start3A_40 : memref<632x32xf32, #tpu.memory_space<hbm>>) target(%dma_start3A_38 : memref<632x32xf32, #tpu.memory_space<vmem_shared>>) target_semaphore(%run_scoped3A : memref<!tpu.dma_semaphore, #tpu.memory_space<semaphore_mem>>)
      %dma_wait3A_41 = arith.constant 0 : i32
      %dma_wait3A_42 = tpu.memref_slice %arg11[%mul3A_2, %dma_wait3A_41] : memref<10112x32xf32, #tpu.memory_space<vmem_shared>> -> memref<632x32xf32, #tpu.memory_space<vmem_shared>>
      %dma_wait3A_43 = arith.constant 0 : i32
      %dma_wait3A_44 = tpu.memref_slice %arg5[%mul3A_2, %dma_wait3A_43] : memref<10112x32xf32, #tpu.memory_space<hbm>> -> memref<632x32xf32, #tpu.memory_space<hbm>>
      tpu.wait_dma2 semaphore(%run_scoped3A : memref<!tpu.dma_semaphore, #tpu.memory_space<semaphore_mem>>) src(%dma_wait3A_44 : memref<632x32xf32, #tpu.memory_space<hbm>>) dst(%dma_wait3A_42 : memref<632x32xf32, #tpu.memory_space<vmem_shared>>)
      tpu.yield
    }) : () -> ()
    %barrier3A = arith.constant 0 : index
    tpu.barrier barrier_id(%barrier3A)
    %dma_start3A = arith.constant 0 : i32
    %dma_start3A_3 = arith.constant 0 : i32
    %dma_start3A_4 = arith.constant 0 : i32
    %dma_start3A_5 = arith.constant 0 : i32
    %dma_start3A_6 = arith.constant 0 : i32
    %dma_start3A_7 = tpu.memref_slice %arg9[%dma_start3A_3, %dma_start3A_5, %dma_start3A_6] : memref<2x128x32xf32, #tpu.memory_space<vmem>> -> memref<1x128x32xf32, #tpu.memory_space<vmem>>
    %dma_start3A_8 = tpu.memref_squeeze %dma_start3A_7 : memref<1x128x32xf32, #tpu.memory_space<vmem>> -> memref<128x32xf32, #tpu.memory_space<vmem>>
    %dma_start3A_9 = arith.constant 0 : i32
    %dma_start3A_10 = tpu.memref_slice %arg7[%dma_start3A, %dma_start3A_9] : memref<80x128xi32, #tpu.memory_space<vmem>> -> memref<1x128xi32, #tpu.memory_space<vmem>>
    %dma_start3A_11 = tpu.memref_squeeze %dma_start3A_10 : memref<1x128xi32, #tpu.memory_space<vmem>> -> memref<128xi32, #tpu.memory_space<vmem>>
    %dma_start3A_12 = arith.constant 0 : i32
    %dma_start3A_13 = arith.constant 0 : i32
    %dma_start3A_14 = tpu.memref_slice %arg10[%dma_start3A_12, %dma_start3A_13] : memref<10112x32xf32, #tpu.memory_space<vmem_shared>> -> memref<10112x32xf32, #tpu.memory_space<vmem_shared>>
    %dma_start3A_15 = tpu.memref_slice %arg12[%dma_start3A_4] : memref<2x!tpu.dma_semaphore, #tpu.memory_space<semaphore_mem>> -> memref<1x!tpu.dma_semaphore, #tpu.memory_space<semaphore_mem>>
    %dma_start3A_16 = tpu.memref_squeeze %dma_start3A_15 : memref<1x!tpu.dma_semaphore, #tpu.memory_space<semaphore_mem>> -> memref<!tpu.dma_semaphore, #tpu.memory_space<semaphore_mem>>
    tpu.enqueue_indirect_dma source(%dma_start3A_14 : memref<10112x32xf32, #tpu.memory_space<vmem_shared>>) target(%dma_start3A_8 : memref<128x32xf32, #tpu.memory_space<vmem>>) offsets(%dma_start3A_11 : memref<128xi32, #tpu.memory_space<vmem>>) semaphore(%dma_start3A_16 : memref<!tpu.dma_semaphore, #tpu.memory_space<semaphore_mem>>)
    %scan3A = arith.constant 0 : i32
    %scan3A_17 = arith.constant 0 : i32
    %scan3A_18 = arith.constant 40 : i32
    %scan3A_19 = arith.addi %scan3A_17, %scan3A_18 : i32
    %scan3A_20 = arith.constant 1 : i32
    scf.for %scan3A_37 = %scan3A_17 to %scan3A_19 step %scan3A_20  : i32 {
      %mul3A_38 = arith.constant 2 : i32
      %mul3A_39 = arith.muli %scan3A_37, %mul3A_38 : i32
      %add3A_40 = arith.constant 0 : i32
      %add3A_41 = arith.addi %mul3A_39, %add3A_40 : i32
      %add3A_42 = arith.constant 1 : i32
      %add3A_43 = arith.addi %add3A_41, %add3A_42 : i32
      %min3A = arith.constant 79 : i32
      %min3A_44 = arith.minsi %add3A_43, %min3A : i32
      %dma_start3A_45 = arith.constant 1 : i32
      %dma_start3A_46 = arith.constant 1 : i32
      %dma_start3A_47 = arith.constant 0 : i32
      %dma_start3A_48 = arith.constant 0 : i32
      %dma_start3A_49 = tpu.memref_slice %arg9[%dma_start3A_45, %dma_start3A_47, %dma_start3A_48] : memref<2x128x32xf32, #tpu.memory_space<vmem>> -> memref<1x128x32xf32, #tpu.memory_space<vmem>>
      %dma_start3A_50 = tpu.memref_squeeze %dma_start3A_49 : memref<1x128x32xf32, #tpu.memory_space<vmem>> -> memref<128x32xf32, #tpu.memory_space<vmem>>
      %dma_start3A_51 = arith.constant 0 : i32
      %dma_start3A_52 = tpu.memref_slice %arg7[%min3A_44, %dma_start3A_51] : memref<80x128xi32, #tpu.memory_space<vmem>> -> memref<1x128xi32, #tpu.memory_space<vmem>>
      %dma_start3A_53 = tpu.memref_squeeze %dma_start3A_52 : memref<1x128xi32, #tpu.memory_space<vmem>> -> memref<128xi32, #tpu.memory_space<vmem>>
      %dma_start3A_54 = arith.constant 0 : i32
      %dma_start3A_55 = arith.constant 0 : i32
      %dma_start3A_56 = tpu.memref_slice %arg10[%dma_start3A_54, %dma_start3A_55] : memref<10112x32xf32, #tpu.memory_space<vmem_shared>> -> memref<10112x32xf32, #tpu.memory_space<vmem_shared>>
      %dma_start3A_57 = tpu.memref_slice %arg12[%dma_start3A_46] : memref<2x!tpu.dma_semaphore, #tpu.memory_space<semaphore_mem>> -> memref<1x!tpu.dma_semaphore, #tpu.memory_space<semaphore_mem>>
      %dma_start3A_58 = tpu.memref_squeeze %dma_start3A_57 : memref<1x!tpu.dma_semaphore, #tpu.memory_space<semaphore_mem>> -> memref<!tpu.dma_semaphore, #tpu.memory_space<semaphore_mem>>
      tpu.enqueue_indirect_dma source(%dma_start3A_56 : memref<10112x32xf32, #tpu.memory_space<vmem_shared>>) target(%dma_start3A_50 : memref<128x32xf32, #tpu.memory_space<vmem>>) offsets(%dma_start3A_53 : memref<128xi32, #tpu.memory_space<vmem>>) semaphore(%dma_start3A_58 : memref<!tpu.dma_semaphore, #tpu.memory_space<semaphore_mem>>)
      %dma_wait3A_59 = arith.constant 0 : i32
      %dma_wait3A_60 = arith.constant 0 : i32
      %dma_wait3A_61 = arith.constant 0 : i32
      %dma_wait3A_62 = arith.constant 0 : i32
      %dma_wait3A_63 = tpu.memref_slice %arg9[%dma_wait3A_59, %dma_wait3A_61, %dma_wait3A_62] : memref<2x128x32xf32, #tpu.memory_space<vmem>> -> memref<1x128x32xf32, #tpu.memory_space<vmem>>
      %dma_wait3A_64 = tpu.memref_squeeze %dma_wait3A_63 : memref<1x128x32xf32, #tpu.memory_space<vmem>> -> memref<128x32xf32, #tpu.memory_space<vmem>>
      %dma_wait3A_65 = arith.constant 0 : i32
      %dma_wait3A_66 = tpu.memref_slice %arg7[%add3A_41, %dma_wait3A_65] : memref<80x128xi32, #tpu.memory_space<vmem>> -> memref<1x128xi32, #tpu.memory_space<vmem>>
      %dma_wait3A_67 = tpu.memref_squeeze %dma_wait3A_66 : memref<1x128xi32, #tpu.memory_space<vmem>> -> memref<128xi32, #tpu.memory_space<vmem>>
      %dma_wait3A_68 = arith.constant 0 : i32
      %dma_wait3A_69 = arith.constant 0 : i32
      %dma_wait3A_70 = tpu.memref_slice %arg10[%dma_wait3A_68, %dma_wait3A_69] : memref<10112x32xf32, #tpu.memory_space<vmem_shared>> -> memref<10112x32xf32, #tpu.memory_space<vmem_shared>>
      %dma_wait3A_71 = tpu.memref_slice %arg12[%dma_wait3A_60] : memref<2x!tpu.dma_semaphore, #tpu.memory_space<semaphore_mem>> -> memref<1x!tpu.dma_semaphore, #tpu.memory_space<semaphore_mem>>
      %dma_wait3A_72 = tpu.memref_squeeze %dma_wait3A_71 : memref<1x!tpu.dma_semaphore, #tpu.memory_space<semaphore_mem>> -> memref<!tpu.dma_semaphore, #tpu.memory_space<semaphore_mem>>
      tpu.wait_indirect_dma semaphore(%dma_wait3A_72 : memref<!tpu.dma_semaphore, #tpu.memory_space<semaphore_mem>>) src(%dma_wait3A_70 : memref<10112x32xf32, #tpu.memory_space<vmem_shared>>) dst(%dma_wait3A_64 : memref<128x32xf32, #tpu.memory_space<vmem>>)
      %run_scoped3A = arith.constant 0 : i32
      "tpu.region"() ({
        %run_scoped3A_110 = tpu.sem_alloc : memref<!tpu.dma_semaphore, #tpu.memory_space<semaphore_mem>>
        %dma_start3A_111 = arith.constant 0 : i32
        %dma_start3A_112 = arith.constant 0 : i32
        %dma_start3A_113 = tpu.memref_slice %arg9[%run_scoped3A, %dma_start3A_111, %dma_start3A_112] : memref<2x128x32xf32, #tpu.memory_space<vmem>> -> memref<1x128x32xf32, #tpu.memory_space<vmem>>
        %dma_start3A_114 = tpu.memref_squeeze %dma_start3A_113 : memref<1x128x32xf32, #tpu.memory_space<vmem>> -> memref<128x32xf32, #tpu.memory_space<vmem>>
        %dma_start3A_115 = arith.constant 0 : i32
        %dma_start3A_116 = tpu.memref_slice %arg8[%add3A_41, %dma_start3A_115] : memref<80x128xi32, #tpu.memory_space<vmem>> -> memref<1x128xi32, #tpu.memory_space<vmem>>
        %dma_start3A_117 = tpu.memref_squeeze %dma_start3A_116 : memref<1x128xi32, #tpu.memory_space<vmem>> -> memref<128xi32, #tpu.memory_space<vmem>>
        %dma_start3A_118 = arith.constant 0 : i32
        %dma_start3A_119 = arith.constant 0 : i32
        %dma_start3A_120 = tpu.memref_slice %arg11[%dma_start3A_118, %dma_start3A_119] : memref<10112x32xf32, #tpu.memory_space<vmem_shared>> -> memref<10112x32xf32, #tpu.memory_space<vmem_shared>>
        tpu.enqueue_indirect_dma source(%dma_start3A_114 : memref<128x32xf32, #tpu.memory_space<vmem>>) target(%dma_start3A_120 : memref<10112x32xf32, #tpu.memory_space<vmem_shared>>) offsets(%dma_start3A_117 : memref<128xi32, #tpu.memory_space<vmem>>) semaphore(%run_scoped3A_110 : memref<!tpu.dma_semaphore, #tpu.memory_space<semaphore_mem>>) {add = true}
        %dma_wait3A_121 = arith.constant 0 : i32
        %dma_wait3A_122 = arith.constant 0 : i32
        %dma_wait3A_123 = tpu.memref_slice %arg9[%run_scoped3A, %dma_wait3A_121, %dma_wait3A_122] : memref<2x128x32xf32, #tpu.memory_space<vmem>> -> memref<1x128x32xf32, #tpu.memory_space<vmem>>
        %dma_wait3A_124 = tpu.memref_squeeze %dma_wait3A_123 : memref<1x128x32xf32, #tpu.memory_space<vmem>> -> memref<128x32xf32, #tpu.memory_space<vmem>>
        %dma_wait3A_125 = arith.constant 0 : i32
        %dma_wait3A_126 = tpu.memref_slice %arg8[%add3A_41, %dma_wait3A_125] : memref<80x128xi32, #tpu.memory_space<vmem>> -> memref<1x128xi32, #tpu.memory_space<vmem>>
        %dma_wait3A_127 = tpu.memref_squeeze %dma_wait3A_126 : memref<1x128xi32, #tpu.memory_space<vmem>> -> memref<128xi32, #tpu.memory_space<vmem>>
        %dma_wait3A_128 = arith.constant 0 : i32
        %dma_wait3A_129 = arith.constant 0 : i32
        %dma_wait3A_130 = tpu.memref_slice %arg11[%dma_wait3A_128, %dma_wait3A_129] : memref<10112x32xf32, #tpu.memory_space<vmem_shared>> -> memref<10112x32xf32, #tpu.memory_space<vmem_shared>>
        tpu.wait_indirect_dma semaphore(%run_scoped3A_110 : memref<!tpu.dma_semaphore, #tpu.memory_space<semaphore_mem>>) src(%dma_wait3A_124 : memref<128x32xf32, #tpu.memory_space<vmem>>) dst(%dma_wait3A_130 : memref<10112x32xf32, #tpu.memory_space<vmem_shared>>)
        tpu.yield
      }) : () -> ()
      %mul3A_73 = arith.constant 2 : i32
      %mul3A_74 = arith.muli %scan3A_37, %mul3A_73 : i32
      %add3A_75 = arith.constant 1 : i32
      %add3A_76 = arith.addi %mul3A_74, %add3A_75 : i32
      %add3A_77 = arith.constant 1 : i32
      %add3A_78 = arith.addi %add3A_76, %add3A_77 : i32
      %min3A_79 = arith.constant 79 : i32
      %min3A_80 = arith.minsi %add3A_78, %min3A_79 : i32
      %dma_start3A_81 = arith.constant 0 : i32
      %dma_start3A_82 = arith.constant 0 : i32
      %dma_start3A_83 = arith.constant 0 : i32
      %dma_start3A_84 = arith.constant 0 : i32
      %dma_start3A_85 = tpu.memref_slice %arg9[%dma_start3A_81, %dma_start3A_83, %dma_start3A_84] : memref<2x128x32xf32, #tpu.memory_space<vmem>> -> memref<1x128x32xf32, #tpu.memory_space<vmem>>
      %dma_start3A_86 = tpu.memref_squeeze %dma_start3A_85 : memref<1x128x32xf32, #tpu.memory_space<vmem>> -> memref<128x32xf32, #tpu.memory_space<vmem>>
      %dma_start3A_87 = arith.constant 0 : i32
      %dma_start3A_88 = tpu.memref_slice %arg7[%min3A_80, %dma_start3A_87] : memref<80x128xi32, #tpu.memory_space<vmem>> -> memref<1x128xi32, #tpu.memory_space<vmem>>
      %dma_start3A_89 = tpu.memref_squeeze %dma_start3A_88 : memref<1x128xi32, #tpu.memory_space<vmem>> -> memref<128xi32, #tpu.memory_space<vmem>>
      %dma_start3A_90 = arith.constant 0 : i32
      %dma_start3A_91 = arith.constant 0 : i32
      %dma_start3A_92 = tpu.memref_slice %arg10[%dma_start3A_90, %dma_start3A_91] : memref<10112x32xf32, #tpu.memory_space<vmem_shared>> -> memref<10112x32xf32, #tpu.memory_space<vmem_shared>>
      %dma_start3A_93 = tpu.memref_slice %arg12[%dma_start3A_82] : memref<2x!tpu.dma_semaphore, #tpu.memory_space<semaphore_mem>> -> memref<1x!tpu.dma_semaphore, #tpu.memory_space<semaphore_mem>>
      %dma_start3A_94 = tpu.memref_squeeze %dma_start3A_93 : memref<1x!tpu.dma_semaphore, #tpu.memory_space<semaphore_mem>> -> memref<!tpu.dma_semaphore, #tpu.memory_space<semaphore_mem>>
      tpu.enqueue_indirect_dma source(%dma_start3A_92 : memref<10112x32xf32, #tpu.memory_space<vmem_shared>>) target(%dma_start3A_86 : memref<128x32xf32, #tpu.memory_space<vmem>>) offsets(%dma_start3A_89 : memref<128xi32, #tpu.memory_space<vmem>>) semaphore(%dma_start3A_94 : memref<!tpu.dma_semaphore, #tpu.memory_space<semaphore_mem>>)
      %dma_wait3A_95 = arith.constant 1 : i32
      %dma_wait3A_96 = arith.constant 1 : i32
      %dma_wait3A_97 = arith.constant 0 : i32
      %dma_wait3A_98 = arith.constant 0 : i32
      %dma_wait3A_99 = tpu.memref_slice %arg9[%dma_wait3A_95, %dma_wait3A_97, %dma_wait3A_98] : memref<2x128x32xf32, #tpu.memory_space<vmem>> -> memref<1x128x32xf32, #tpu.memory_space<vmem>>
      %dma_wait3A_100 = tpu.memref_squeeze %dma_wait3A_99 : memref<1x128x32xf32, #tpu.memory_space<vmem>> -> memref<128x32xf32, #tpu.memory_space<vmem>>
      %dma_wait3A_101 = arith.constant 0 : i32
      %dma_wait3A_102 = tpu.memref_slice %arg7[%add3A_76, %dma_wait3A_101] : memref<80x128xi32, #tpu.memory_space<vmem>> -> memref<1x128xi32, #tpu.memory_space<vmem>>
      %dma_wait3A_103 = tpu.memref_squeeze %dma_wait3A_102 : memref<1x128xi32, #tpu.memory_space<vmem>> -> memref<128xi32, #tpu.memory_space<vmem>>
      %dma_wait3A_104 = arith.constant 0 : i32
      %dma_wait3A_105 = arith.constant 0 : i32
      %dma_wait3A_106 = tpu.memref_slice %arg10[%dma_wait3A_104, %dma_wait3A_105] : memref<10112x32xf32, #tpu.memory_space<vmem_shared>> -> memref<10112x32xf32, #tpu.memory_space<vmem_shared>>
      %dma_wait3A_107 = tpu.memref_slice %arg12[%dma_wait3A_96] : memref<2x!tpu.dma_semaphore, #tpu.memory_space<semaphore_mem>> -> memref<1x!tpu.dma_semaphore, #tpu.memory_space<semaphore_mem>>
      %dma_wait3A_108 = tpu.memref_squeeze %dma_wait3A_107 : memref<1x!tpu.dma_semaphore, #tpu.memory_space<semaphore_mem>> -> memref<!tpu.dma_semaphore, #tpu.memory_space<semaphore_mem>>
      tpu.wait_indirect_dma semaphore(%dma_wait3A_108 : memref<!tpu.dma_semaphore, #tpu.memory_space<semaphore_mem>>) src(%dma_wait3A_106 : memref<10112x32xf32, #tpu.memory_space<vmem_shared>>) dst(%dma_wait3A_100 : memref<128x32xf32, #tpu.memory_space<vmem>>)
      %run_scoped3A_109 = arith.constant 1 : i32
      "tpu.region"() ({
        %run_scoped3A_110 = tpu.sem_alloc : memref<!tpu.dma_semaphore, #tpu.memory_space<semaphore_mem>>
        %dma_start3A_111 = arith.constant 0 : i32
        %dma_start3A_112 = arith.constant 0 : i32
        %dma_start3A_113 = tpu.memref_slice %arg9[%run_scoped3A_109, %dma_start3A_111, %dma_start3A_112] : memref<2x128x32xf32, #tpu.memory_space<vmem>> -> memref<1x128x32xf32, #tpu.memory_space<vmem>>
        %dma_start3A_114 = tpu.memref_squeeze %dma_start3A_113 : memref<1x128x32xf32, #tpu.memory_space<vmem>> -> memref<128x32xf32, #tpu.memory_space<vmem>>
        %dma_start3A_115 = arith.constant 0 : i32
        %dma_start3A_116 = tpu.memref_slice %arg8[%add3A_76, %dma_start3A_115] : memref<80x128xi32, #tpu.memory_space<vmem>> -> memref<1x128xi32, #tpu.memory_space<vmem>>
        %dma_start3A_117 = tpu.memref_squeeze %dma_start3A_116 : memref<1x128xi32, #tpu.memory_space<vmem>> -> memref<128xi32, #tpu.memory_space<vmem>>
        %dma_start3A_118 = arith.constant 0 : i32
        %dma_start3A_119 = arith.constant 0 : i32
        %dma_start3A_120 = tpu.memref_slice %arg11[%dma_start3A_118, %dma_start3A_119] : memref<10112x32xf32, #tpu.memory_space<vmem_shared>> -> memref<10112x32xf32, #tpu.memory_space<vmem_shared>>
        tpu.enqueue_indirect_dma source(%dma_start3A_114 : memref<128x32xf32, #tpu.memory_space<vmem>>) target(%dma_start3A_120 : memref<10112x32xf32, #tpu.memory_space<vmem_shared>>) offsets(%dma_start3A_117 : memref<128xi32, #tpu.memory_space<vmem>>) semaphore(%run_scoped3A_110 : memref<!tpu.dma_semaphore, #tpu.memory_space<semaphore_mem>>) {add = true}
        %dma_wait3A_121 = arith.constant 0 : i32
        %dma_wait3A_122 = arith.constant 0 : i32
        %dma_wait3A_123 = tpu.memref_slice %arg9[%run_scoped3A_109, %dma_wait3A_121, %dma_wait3A_122] : memref<2x128x32xf32, #tpu.memory_space<vmem>> -> memref<1x128x32xf32, #tpu.memory_space<vmem>>
        %dma_wait3A_124 = tpu.memref_squeeze %dma_wait3A_123 : memref<1x128x32xf32, #tpu.memory_space<vmem>> -> memref<128x32xf32, #tpu.memory_space<vmem>>
        %dma_wait3A_125 = arith.constant 0 : i32
        %dma_wait3A_126 = tpu.memref_slice %arg8[%add3A_76, %dma_wait3A_125] : memref<80x128xi32, #tpu.memory_space<vmem>> -> memref<1x128xi32, #tpu.memory_space<vmem>>
        %dma_wait3A_127 = tpu.memref_squeeze %dma_wait3A_126 : memref<1x128xi32, #tpu.memory_space<vmem>> -> memref<128xi32, #tpu.memory_space<vmem>>
        %dma_wait3A_128 = arith.constant 0 : i32
        %dma_wait3A_129 = arith.constant 0 : i32
        %dma_wait3A_130 = tpu.memref_slice %arg11[%dma_wait3A_128, %dma_wait3A_129] : memref<10112x32xf32, #tpu.memory_space<vmem_shared>> -> memref<10112x32xf32, #tpu.memory_space<vmem_shared>>
        tpu.wait_indirect_dma semaphore(%run_scoped3A_110 : memref<!tpu.dma_semaphore, #tpu.memory_space<semaphore_mem>>) src(%dma_wait3A_124 : memref<128x32xf32, #tpu.memory_space<vmem>>) dst(%dma_wait3A_130 : memref<10112x32xf32, #tpu.memory_space<vmem_shared>>)
        tpu.yield
      }) : () -> ()
    }
    %scan3A_21 = arith.constant 40 : i32
    %dma_wait3A = arith.constant 0 : i32
    %dma_wait3A_22 = arith.constant 0 : i32
    %dma_wait3A_23 = arith.constant 0 : i32
    %dma_wait3A_24 = arith.constant 0 : i32
    %dma_wait3A_25 = arith.constant 0 : i32
    %dma_wait3A_26 = tpu.memref_slice %arg9[%dma_wait3A_22, %dma_wait3A_24, %dma_wait3A_25] : memref<2x128x32xf32, #tpu.memory_space<vmem>> -> memref<1x128x32xf32, #tpu.memory_space<vmem>>
    %dma_wait3A_27 = tpu.memref_squeeze %dma_wait3A_26 : memref<1x128x32xf32, #tpu.memory_space<vmem>> -> memref<128x32xf32, #tpu.memory_space<vmem>>
    %dma_wait3A_28 = arith.constant 0 : i32
    %dma_wait3A_29 = tpu.memref_slice %arg7[%dma_wait3A, %dma_wait3A_28] : memref<80x128xi32, #tpu.memory_space<vmem>> -> memref<1x128xi32, #tpu.memory_space<vmem>>
    %dma_wait3A_30 = tpu.memref_squeeze %dma_wait3A_29 : memref<1x128xi32, #tpu.memory_space<vmem>> -> memref<128xi32, #tpu.memory_space<vmem>>
    %dma_wait3A_31 = arith.constant 0 : i32
    %dma_wait3A_32 = arith.constant 0 : i32
    %dma_wait3A_33 = tpu.memref_slice %arg10[%dma_wait3A_31, %dma_wait3A_32] : memref<10112x32xf32, #tpu.memory_space<vmem_shared>> -> memref<10112x32xf32, #tpu.memory_space<vmem_shared>>
    %dma_wait3A_34 = tpu.memref_slice %arg12[%dma_wait3A_23] : memref<2x!tpu.dma_semaphore, #tpu.memory_space<semaphore_mem>> -> memref<1x!tpu.dma_semaphore, #tpu.memory_space<semaphore_mem>>
    %dma_wait3A_35 = tpu.memref_squeeze %dma_wait3A_34 : memref<1x!tpu.dma_semaphore, #tpu.memory_space<semaphore_mem>> -> memref<!tpu.dma_semaphore, #tpu.memory_space<semaphore_mem>>
    tpu.wait_indirect_dma semaphore(%dma_wait3A_35 : memref<!tpu.dma_semaphore, #tpu.memory_space<semaphore_mem>>) src(%dma_wait3A_33 : memref<10112x32xf32, #tpu.memory_space<vmem_shared>>) dst(%dma_wait3A_27 : memref<128x32xf32, #tpu.memory_space<vmem>>)
    %barrier3A_36 = arith.constant 0 : index
    tpu.barrier barrier_id(%barrier3A_36)
    "tpu.region"() ({
      %run_scoped3A = tpu.sem_alloc : memref<!tpu.dma_semaphore, #tpu.memory_space<semaphore_mem>>
      %dma_start3A_37 = arith.constant 0 : i32
      %dma_start3A_38 = tpu.memref_slice %arg6[%arg0, %mul3A_2, %dma_start3A_37] : memref<2x10112x32xf32, #tpu.memory_space<hbm>> -> memref<1x632x32xf32, #tpu.memory_space<hbm>>
      %dma_start3A_39 = tpu.memref_squeeze %dma_start3A_38 : memref<1x632x32xf32, #tpu.memory_space<hbm>> -> memref<632x32xf32, #tpu.memory_space<hbm>>
      %dma_start3A_40 = arith.constant 0 : i32
      %dma_start3A_41 = tpu.memref_slice %arg11[%mul3A_2, %dma_start3A_40] : memref<10112x32xf32, #tpu.memory_space<vmem_shared>> -> memref<632x32xf32, #tpu.memory_space<vmem_shared>>
      tpu.enqueue_dma source(%dma_start3A_41 : memref<632x32xf32, #tpu.memory_space<vmem_shared>>) target(%dma_start3A_39 : memref<632x32xf32, #tpu.memory_space<hbm>>) target_semaphore(%run_scoped3A : memref<!tpu.dma_semaphore, #tpu.memory_space<semaphore_mem>>)
      %dma_wait3A_42 = arith.constant 0 : i32
      %dma_wait3A_43 = tpu.memref_slice %arg6[%arg0, %mul3A_2, %dma_wait3A_42] : memref<2x10112x32xf32, #tpu.memory_space<hbm>> -> memref<1x632x32xf32, #tpu.memory_space<hbm>>
      %dma_wait3A_44 = tpu.memref_squeeze %dma_wait3A_43 : memref<1x632x32xf32, #tpu.memory_space<hbm>> -> memref<632x32xf32, #tpu.memory_space<hbm>>
      %dma_wait3A_45 = arith.constant 0 : i32
      %dma_wait3A_46 = tpu.memref_slice %arg11[%mul3A_2, %dma_wait3A_45] : memref<10112x32xf32, #tpu.memory_space<vmem_shared>> -> memref<632x32xf32, #tpu.memory_space<vmem_shared>>
      tpu.wait_dma2 semaphore(%run_scoped3A : memref<!tpu.dma_semaphore, #tpu.memory_space<semaphore_mem>>) src(%dma_wait3A_46 : memref<632x32xf32, #tpu.memory_space<vmem_shared>>) dst(%dma_wait3A_44 : memref<632x32xf32, #tpu.memory_space<hbm>>)
      tpu.yield
    }) : () -> ()
    return
  }
}

#map = affine_map<(d0, d1) -> (0, 0, 0)>
#map1 = affine_map<(d0, d1) -> (0, 0)>
module attributes {stable_mosaic.version = 14 : i64} {
  func.func @conv(%arg0: i32, %arg1: i32, %arg2: memref<32x80x128xi32, #tpu.memory_space<hbm>>, %arg3: memref<32x80x128xi32, #tpu.memory_space<hbm>>, %arg4: memref<10112x32xf32, #tpu.memory_space<hbm>>, %arg5: memref<10112x32xf32, #tpu.memory_space<hbm>>, %arg6: memref<2x10112x32xf32, #tpu.memory_space<hbm>>, %arg7: memref<80x128xi32, #tpu.memory_space<vmem>>, %arg8: memref<80x128xi32, #tpu.memory_space<vmem>>, %arg9: memref<2x128x32xf32, #tpu.memory_space<vmem>>, %arg10: memref<10112x32xf32, #tpu.memory_space<vmem_shared>>, %arg11: memref<10112x32xf32, #tpu.memory_space<vmem_shared>>, %arg12: memref<2x!tpu.dma_semaphore, #tpu.memory_space<semaphore_mem>>) attributes {dimension_semantics = [#tpu.dimension_semantics<core_parallel>, #tpu.dimension_semantics<subcore_parallel>], iteration_bounds = array<i64: 2, 16>, scalar_prefetch = 0 : i64, scratch_operands = 6 : i64, tpu.core_type = #tpu.core_type<sc_vector_subcore>, window_params = [{transform_indices = #map}, {transform_indices = #map}, {transform_indices = #map1}, {transform_indices = #map1}, {transform_indices = #map}]} {
    %mul3A = arith.constant 16 : i32
    %mul3A_0 = arith.muli %arg0, %mul3A : i32
    %add3A = arith.addi %mul3A_0, %arg1 : i32
    "tpu.region"() ({
      %run_scoped3A = tpu.sem_alloc : memref<!tpu.dma_semaphore, #tpu.memory_space<semaphore_mem>>
      %dma_start3A_37 = arith.constant 0 : i32
      %dma_start3A_38 = arith.constant 0 : i32
      %dma_start3A_39 = tpu.memref_slice %arg2[%add3A, %dma_start3A_37, %dma_start3A_38] : memref<32x80x128xi32, #tpu.memory_space<hbm>> -> memref<1x80x128xi32, #tpu.memory_space<hbm>>
      %dma_start3A_40 = tpu.memref_squeeze %dma_start3A_39 : memref<1x80x128xi32, #tpu.memory_space<hbm>> -> memref<80x128xi32, #tpu.memory_space<hbm>>
      %dma_start3A_41 = arith.constant 0 : i32
      %dma_start3A_42 = arith.constant 0 : i32
      %dma_start3A_43 = tpu.memref_slice %arg2[%add3A, %dma_start3A_41, %dma_start3A_42] : memref<32x80x128xi32, #tpu.memory_space<hbm>> -> memref<1x80x128xi32, #tpu.memory_space<hbm>>
      %dma_start3A_44 = tpu.memref_squeeze %dma_start3A_43 : memref<1x80x128xi32, #tpu.memory_space<hbm>> -> memref<80x128xi32, #tpu.memory_space<hbm>>
      tpu.enqueue_dma source(%dma_start3A_44 : memref<80x128xi32, #tpu.memory_space<hbm>>) target(%arg7 : memref<80x128xi32, #tpu.memory_space<vmem>>) target_semaphore(%run_scoped3A : memref<!tpu.dma_semaphore, #tpu.memory_space<semaphore_mem>>)
      %dma_wait3A_45 = arith.constant 0 : i32
      %dma_wait3A_46 = arith.constant 0 : i32
      %dma_wait3A_47 = tpu.memref_slice %arg2[%add3A, %dma_wait3A_45, %dma_wait3A_46] : memref<32x80x128xi32, #tpu.memory_space<hbm>> -> memref<1x80x128xi32, #tpu.memory_space<hbm>>
      %dma_wait3A_48 = tpu.memref_squeeze %dma_wait3A_47 : memref<1x80x128xi32, #tpu.memory_space<hbm>> -> memref<80x128xi32, #tpu.memory_space<hbm>>
      %dma_wait3A_49 = arith.constant 0 : i32
      %dma_wait3A_50 = arith.constant 0 : i32
      %dma_wait3A_51 = tpu.memref_slice %arg2[%add3A, %dma_wait3A_49, %dma_wait3A_50] : memref<32x80x128xi32, #tpu.memory_space<hbm>> -> memref<1x80x128xi32, #tpu.memory_space<hbm>>
      %dma_wait3A_52 = tpu.memref_squeeze %dma_wait3A_51 : memref<1x80x128xi32, #tpu.memory_space<hbm>> -> memref<80x128xi32, #tpu.memory_space<hbm>>
      tpu.wait_dma2 semaphore(%run_scoped3A : memref<!tpu.dma_semaphore, #tpu.memory_space<semaphore_mem>>) src(%dma_wait3A_52 : memref<80x128xi32, #tpu.memory_space<hbm>>) dst(%arg7 : memref<80x128xi32, #tpu.memory_space<vmem>>)
      tpu.yield
    }) : () -> ()
    "tpu.region"() ({
      %run_scoped3A = tpu.sem_alloc : memref<!tpu.dma_semaphore, #tpu.memory_space<semaphore_mem>>
      %dma_start3A_37 = arith.constant 0 : i32
      %dma_start3A_38 = arith.constant 0 : i32
      %dma_start3A_39 = tpu.memref_slice %arg3[%add3A, %dma_start3A_37, %dma_start3A_38] : memref<32x80x128xi32, #tpu.memory_space<hbm>> -> memref<1x80x128xi32, #tpu.memory_space<hbm>>
      %dma_start3A_40 = tpu.memref_squeeze %dma_start3A_39 : memref<1x80x128xi32, #tpu.memory_space<hbm>> -> memref<80x128xi32, #tpu.memory_space<hbm>>
      %dma_start3A_41 = arith.constant 0 : i32
      %dma_start3A_42 = arith.constant 0 : i32
      %dma_start3A_43 = tpu.memref_slice %arg3[%add3A, %dma_start3A_41, %dma_start3A_42] : memref<32x80x128xi32, #tpu.memory_space<hbm>> -> memref<1x80x128xi32, #tpu.memory_space<hbm>>
      %dma_start3A_44 = tpu.memref_squeeze %dma_start3A_43 : memref<1x80x128xi32, #tpu.memory_space<hbm>> -> memref<80x128xi32, #tpu.memory_space<hbm>>
      tpu.enqueue_dma source(%dma_start3A_44 : memref<80x128xi32, #tpu.memory_space<hbm>>) target(%arg8 : memref<80x128xi32, #tpu.memory_space<vmem>>) target_semaphore(%run_scoped3A : memref<!tpu.dma_semaphore, #tpu.memory_space<semaphore_mem>>)
      %dma_wait3A_45 = arith.constant 0 : i32
      %dma_wait3A_46 = arith.constant 0 : i32
      %dma_wait3A_47 = tpu.memref_slice %arg3[%add3A, %dma_wait3A_45, %dma_wait3A_46] : memref<32x80x128xi32, #tpu.memory_space<hbm>> -> memref<1x80x128xi32, #tpu.memory_space<hbm>>
      %dma_wait3A_48 = tpu.memref_squeeze %dma_wait3A_47 : memref<1x80x128xi32, #tpu.memory_space<hbm>> -> memref<80x128xi32, #tpu.memory_space<hbm>>
      %dma_wait3A_49 = arith.constant 0 : i32
      %dma_wait3A_50 = arith.constant 0 : i32
      %dma_wait3A_51 = tpu.memref_slice %arg3[%add3A, %dma_wait3A_49, %dma_wait3A_50] : memref<32x80x128xi32, #tpu.memory_space<hbm>> -> memref<1x80x128xi32, #tpu.memory_space<hbm>>
      %dma_wait3A_52 = tpu.memref_squeeze %dma_wait3A_51 : memref<1x80x128xi32, #tpu.memory_space<hbm>> -> memref<80x128xi32, #tpu.memory_space<hbm>>
      tpu.wait_dma2 semaphore(%run_scoped3A : memref<!tpu.dma_semaphore, #tpu.memory_space<semaphore_mem>>) src(%dma_wait3A_52 : memref<80x128xi32, #tpu.memory_space<hbm>>) dst(%arg8 : memref<80x128xi32, #tpu.memory_space<vmem>>)
      tpu.yield
    }) : () -> ()
    %mul3A_1 = arith.constant 632 : i32
    %mul3A_2 = arith.muli %arg1, %mul3A_1 : i32
    "tpu.region"() ({
      %run_scoped3A = tpu.sem_alloc : memref<!tpu.dma_semaphore, #tpu.memory_space<semaphore_mem>>
      %dma_start3A_37 = arith.constant 0 : i32
      %dma_start3A_38 = tpu.memref_slice %arg10[%mul3A_2, %dma_start3A_37] : memref<10112x32xf32, #tpu.memory_space<vmem_shared>> -> memref<632x32xf32, #tpu.memory_space<vmem_shared>>
      %dma_start3A_39 = arith.constant 0 : i32
      %dma_start3A_40 = tpu.memref_slice %arg4[%mul3A_2, %dma_start3A_39] : memref<10112x32xf32, #tpu.memory_space<hbm>> -> memref<632x32xf32, #tpu.memory_space<hbm>>
      tpu.enqueue_dma source(%dma_start3A_40 : memref<632x32xf32, #tpu.memory_space<hbm>>) target(%dma_start3A_38 : memref<632x32xf32, #tpu.memory_space<vmem_shared>>) target_semaphore(%run_scoped3A : memref<!tpu.dma_semaphore, #tpu.memory_space<semaphore_mem>>)
      %dma_wait3A_41 = arith.constant 0 : i32
      %dma_wait3A_42 = tpu.memref_slice %arg10[%mul3A_2, %dma_wait3A_41] : memref<10112x32xf32, #tpu.memory_space<vmem_shared>> -> memref<632x32xf32, #tpu.memory_space<vmem_shared>>
      %dma_wait3A_43 = arith.constant 0 : i32
      %dma_wait3A_44 = tpu.memref_slice %arg4[%mul3A_2, %dma_wait3A_43] : memref<10112x32xf32, #tpu.memory_space<hbm>> -> memref<632x32xf32, #tpu.memory_space<hbm>>
      tpu.wait_dma2 semaphore(%run_scoped3A : memref<!tpu.dma_semaphore, #tpu.memory_space<semaphore_mem>>) src(%dma_wait3A_44 : memref<632x32xf32, #tpu.memory_space<hbm>>) dst(%dma_wait3A_42 : memref<632x32xf32, #tpu.memory_space<vmem_shared>>)
      tpu.yield
    }) : () -> ()
    "tpu.region"() ({
      %run_scoped3A = tpu.sem_alloc : memref<!tpu.dma_semaphore, #tpu.memory_space<semaphore_mem>>
      %dma_start3A_37 = arith.constant 0 : i32
      %dma_start3A_38 = tpu.memref_slice %arg11[%mul3A_2, %dma_start3A_37] : memref<10112x32xf32, #tpu.memory_space<vmem_shared>> -> memref<632x32xf32, #tpu.memory_space<vmem_shared>>
      %dma_start3A_39 = arith.constant 0 : i32
      %dma_start3A_40 = tpu.memref_slice %arg5[%mul3A_2, %dma_start3A_39] : memref<10112x32xf32, #tpu.memory_space<hbm>> -> memref<632x32xf32, #tpu.memory_space<hbm>>
      tpu.enqueue_dma source(%dma_start3A_40 : memref<632x32xf32, #tpu.memory_space<hbm>>) target(%dma_start3A_38 : memref<632x32xf32, #tpu.memory_space<vmem_shared>>) target_semaphore(%run_scoped3A : memref<!tpu.dma_semaphore, #tpu.memory_space<semaphore_mem>>)
      %dma_wait3A_41 = arith.constant 0 : i32
      %dma_wait3A_42 = tpu.memref_slice %arg11[%mul3A_2, %dma_wait3A_41] : memref<10112x32xf32, #tpu.memory_space<vmem_shared>> -> memref<632x32xf32, #tpu.memory_space<vmem_shared>>
      %dma_wait3A_43 = arith.constant 0 : i32
      %dma_wait3A_44 = tpu.memref_slice %arg5[%mul3A_2, %dma_wait3A_43] : memref<10112x32xf32, #tpu.memory_space<hbm>> -> memref<632x32xf32, #tpu.memory_space<hbm>>
      tpu.wait_dma2 semaphore(%run_scoped3A : memref<!tpu.dma_semaphore, #tpu.memory_space<semaphore_mem>>) src(%dma_wait3A_44 : memref<632x32xf32, #tpu.memory_space<hbm>>) dst(%dma_wait3A_42 : memref<632x32xf32, #tpu.memory_space<vmem_shared>>)
      tpu.yield
    }) : () -> ()
    %barrier3A = arith.constant 0 : index
    tpu.barrier barrier_id(%barrier3A)
    %dma_start3A = arith.constant 0 : i32
    %dma_start3A_3 = arith.constant 0 : i32
    %dma_start3A_4 = arith.constant 0 : i32
    %dma_start3A_5 = arith.constant 0 : i32
    %dma_start3A_6 = arith.constant 0 : i32
    %dma_start3A_7 = tpu.memref_slice %arg9[%dma_start3A_3, %dma_start3A_5, %dma_start3A_6] : memref<2x128x32xf32, #tpu.memory_space<vmem>> -> memref<1x128x32xf32, #tpu.memory_space<vmem>>
    %dma_start3A_8 = tpu.memref_squeeze %dma_start3A_7 : memref<1x128x32xf32, #tpu.memory_space<vmem>> -> memref<128x32xf32, #tpu.memory_space<vmem>>
    %dma_start3A_9 = arith.constant 0 : i32
    %dma_start3A_10 = tpu.memref_slice %arg7[%dma_start3A, %dma_start3A_9] : memref<80x128xi32, #tpu.memory_space<vmem>> -> memref<1x128xi32, #tpu.memory_space<vmem>>
    %dma_start3A_11 = tpu.memref_squeeze %dma_start3A_10 : memref<1x128xi32, #tpu.memory_space<vmem>> -> memref<128xi32, #tpu.memory_space<vmem>>
    %dma_start3A_12 = arith.constant 0 : i32
    %dma_start3A_13 = arith.constant 0 : i32
    %dma_start3A_14 = tpu.memref_slice %arg10[%dma_start3A_12, %dma_start3A_13] : memref<10112x32xf32, #tpu.memory_space<vmem_shared>> -> memref<10112x32xf32, #tpu.memory_space<vmem_shared>>
    %dma_start3A_15 = tpu.memref_slice %arg12[%dma_start3A_4] : memref<2x!tpu.dma_semaphore, #tpu.memory_space<semaphore_mem>> -> memref<1x!tpu.dma_semaphore, #tpu.memory_space<semaphore_mem>>
    %dma_start3A_16 = tpu.memref_squeeze %dma_start3A_15 : memref<1x!tpu.dma_semaphore, #tpu.memory_space<semaphore_mem>> -> memref<!tpu.dma_semaphore, #tpu.memory_space<semaphore_mem>>
    tpu.enqueue_indirect_dma source(%dma_start3A_14 : memref<10112x32xf32, #tpu.memory_space<vmem_shared>>) target(%dma_start3A_8 : memref<128x32xf32, #tpu.memory_space<vmem>>) offsets(%dma_start3A_11 : memref<128xi32, #tpu.memory_space<vmem>>) semaphore(%dma_start3A_16 : memref<!tpu.dma_semaphore, #tpu.memory_space<semaphore_mem>>)
    %scan3A = arith.constant 0 : i32
    %scan3A_17 = arith.constant 0 : i32
    %scan3A_18 = arith.constant 40 : i32
    %scan3A_19 = arith.addi %scan3A_17, %scan3A_18 : i32
    %scan3A_20 = arith.constant 1 : i32
    scf.for %scan3A_37 = %scan3A_17 to %scan3A_19 step %scan3A_20  : i32 {
      %mul3A_38 = arith.constant 2 : i32
      %mul3A_39 = arith.muli %scan3A_37, %mul3A_38 : i32
      %add3A_40 = arith.constant 0 : i32
      %add3A_41 = arith.addi %mul3A_39, %add3A_40 : i32
      %add3A_42 = arith.constant 1 : i32
      %add3A_43 = arith.addi %add3A_41, %add3A_42 : i32
      %min3A = arith.constant 79 : i32
      %min3A_44 = arith.minsi %add3A_43, %min3A : i32
      %dma_start3A_45 = arith.constant 1 : i32
      %dma_start3A_46 = arith.constant 1 : i32
      %dma_start3A_47 = arith.constant 0 : i32
      %dma_start3A_48 = arith.constant 0 : i32
      %dma_start3A_49 = tpu.memref_slice %arg9[%dma_start3A_45, %dma_start3A_47, %dma_start3A_48] : memref<2x128x32xf32, #tpu.memory_space<vmem>> -> memref<1x128x32xf32, #tpu.memory_space<vmem>>
      %dma_start3A_50 = tpu.memref_squeeze %dma_start3A_49 : memref<1x128x32xf32, #tpu.memory_space<vmem>> -> memref<128x32xf32, #tpu.memory_space<vmem>>
      %dma_start3A_51 = arith.constant 0 : i32
      %dma_start3A_52 = tpu.memref_slice %arg7[%min3A_44, %dma_start3A_51] : memref<80x128xi32, #tpu.memory_space<vmem>> -> memref<1x128xi32, #tpu.memory_space<vmem>>
      %dma_start3A_53 = tpu.memref_squeeze %dma_start3A_52 : memref<1x128xi32, #tpu.memory_space<vmem>> -> memref<128xi32, #tpu.memory_space<vmem>>
      %dma_start3A_54 = arith.constant 0 : i32
      %dma_start3A_55 = arith.constant 0 : i32
      %dma_start3A_56 = tpu.memref_slice %arg10[%dma_start3A_54, %dma_start3A_55] : memref<10112x32xf32, #tpu.memory_space<vmem_shared>> -> memref<10112x32xf32, #tpu.memory_space<vmem_shared>>
      %dma_start3A_57 = tpu.memref_slice %arg12[%dma_start3A_46] : memref<2x!tpu.dma_semaphore, #tpu.memory_space<semaphore_mem>> -> memref<1x!tpu.dma_semaphore, #tpu.memory_space<semaphore_mem>>
      %dma_start3A_58 = tpu.memref_squeeze %dma_start3A_57 : memref<1x!tpu.dma_semaphore, #tpu.memory_space<semaphore_mem>> -> memref<!tpu.dma_semaphore, #tpu.memory_space<semaphore_mem>>
      tpu.enqueue_indirect_dma source(%dma_start3A_56 : memref<10112x32xf32, #tpu.memory_space<vmem_shared>>) target(%dma_start3A_50 : memref<128x32xf32, #tpu.memory_space<vmem>>) offsets(%dma_start3A_53 : memref<128xi32, #tpu.memory_space<vmem>>) semaphore(%dma_start3A_58 : memref<!tpu.dma_semaphore, #tpu.memory_space<semaphore_mem>>)
      %dma_wait3A_59 = arith.constant 0 : i32
      %dma_wait3A_60 = arith.constant 0 : i32
      %dma_wait3A_61 = arith.constant 0 : i32
      %dma_wait3A_62 = arith.constant 0 : i32
      %dma_wait3A_63 = tpu.memref_slice %arg9[%dma_wait3A_59, %dma_wait3A_61, %dma_wait3A_62] : memref<2x128x32xf32, #tpu.memory_space<vmem>> -> memref<1x128x32xf32, #tpu.memory_space<vmem>>
      %dma_wait3A_64 = tpu.memref_squeeze %dma_wait3A_63 : memref<1x128x32xf32, #tpu.memory_space<vmem>> -> memref<128x32xf32, #tpu.memory_space<vmem>>
      %dma_wait3A_65 = arith.constant 0 : i32
      %dma_wait3A_66 = tpu.memref_slice %arg7[%add3A_41, %dma_wait3A_65] : memref<80x128xi32, #tpu.memory_space<vmem>> -> memref<1x128xi32, #tpu.memory_space<vmem>>
      %dma_wait3A_67 = tpu.memref_squeeze %dma_wait3A_66 : memref<1x128xi32, #tpu.memory_space<vmem>> -> memref<128xi32, #tpu.memory_space<vmem>>
      %dma_wait3A_68 = arith.constant 0 : i32
      %dma_wait3A_69 = arith.constant 0 : i32
      %dma_wait3A_70 = tpu.memref_slice %arg10[%dma_wait3A_68, %dma_wait3A_69] : memref<10112x32xf32, #tpu.memory_space<vmem_shared>> -> memref<10112x32xf32, #tpu.memory_space<vmem_shared>>
      %dma_wait3A_71 = tpu.memref_slice %arg12[%dma_wait3A_60] : memref<2x!tpu.dma_semaphore, #tpu.memory_space<semaphore_mem>> -> memref<1x!tpu.dma_semaphore, #tpu.memory_space<semaphore_mem>>
      %dma_wait3A_72 = tpu.memref_squeeze %dma_wait3A_71 : memref<1x!tpu.dma_semaphore, #tpu.memory_space<semaphore_mem>> -> memref<!tpu.dma_semaphore, #tpu.memory_space<semaphore_mem>>
      tpu.wait_indirect_dma semaphore(%dma_wait3A_72 : memref<!tpu.dma_semaphore, #tpu.memory_space<semaphore_mem>>) src(%dma_wait3A_70 : memref<10112x32xf32, #tpu.memory_space<vmem_shared>>) dst(%dma_wait3A_64 : memref<128x32xf32, #tpu.memory_space<vmem>>)
      %run_scoped3A = arith.constant 0 : i32
      "tpu.region"() ({
        %run_scoped3A_110 = tpu.sem_alloc : memref<!tpu.dma_semaphore, #tpu.memory_space<semaphore_mem>>
        %dma_start3A_111 = arith.constant 0 : i32
        %dma_start3A_112 = arith.constant 0 : i32
        %dma_start3A_113 = tpu.memref_slice %arg9[%run_scoped3A, %dma_start3A_111, %dma_start3A_112] : memref<2x128x32xf32, #tpu.memory_space<vmem>> -> memref<1x128x32xf32, #tpu.memory_space<vmem>>
        %dma_start3A_114 = tpu.memref_squeeze %dma_start3A_113 : memref<1x128x32xf32, #tpu.memory_space<vmem>> -> memref<128x32xf32, #tpu.memory_space<vmem>>
        %dma_start3A_115 = arith.constant 0 : i32
        %dma_start3A_116 = tpu.memref_slice %arg8[%add3A_41, %dma_start3A_115] : memref<80x128xi32, #tpu.memory_space<vmem>> -> memref<1x128xi32, #tpu.memory_space<vmem>>
        %dma_start3A_117 = tpu.memref_squeeze %dma_start3A_116 : memref<1x128xi32, #tpu.memory_space<vmem>> -> memref<128xi32, #tpu.memory_space<vmem>>
        %dma_start3A_118 = arith.constant 0 : i32
        %dma_start3A_119 = arith.constant 0 : i32
        %dma_start3A_120 = tpu.memref_slice %arg11[%dma_start3A_118, %dma_start3A_119] : memref<10112x32xf32, #tpu.memory_space<vmem_shared>> -> memref<10112x32xf32, #tpu.memory_space<vmem_shared>>
        tpu.enqueue_indirect_dma source(%dma_start3A_114 : memref<128x32xf32, #tpu.memory_space<vmem>>) target(%dma_start3A_120 : memref<10112x32xf32, #tpu.memory_space<vmem_shared>>) offsets(%dma_start3A_117 : memref<128xi32, #tpu.memory_space<vmem>>) semaphore(%run_scoped3A_110 : memref<!tpu.dma_semaphore, #tpu.memory_space<semaphore_mem>>) {add = true}
        %dma_wait3A_121 = arith.constant 0 : i32
        %dma_wait3A_122 = arith.constant 0 : i32
        %dma_wait3A_123 = tpu.memref_slice %arg9[%run_scoped3A, %dma_wait3A_121, %dma_wait3A_122] : memref<2x128x32xf32, #tpu.memory_space<vmem>> -> memref<1x128x32xf32, #tpu.memory_space<vmem>>
        %dma_wait3A_124 = tpu.memref_squeeze %dma_wait3A_123 : memref<1x128x32xf32, #tpu.memory_space<vmem>> -> memref<128x32xf32, #tpu.memory_space<vmem>>
        %dma_wait3A_125 = arith.constant 0 : i32
        %dma_wait3A_126 = tpu.memref_slice %arg8[%add3A_41, %dma_wait3A_125] : memref<80x128xi32, #tpu.memory_space<vmem>> -> memref<1x128xi32, #tpu.memory_space<vmem>>
        %dma_wait3A_127 = tpu.memref_squeeze %dma_wait3A_126 : memref<1x128xi32, #tpu.memory_space<vmem>> -> memref<128xi32, #tpu.memory_space<vmem>>
        %dma_wait3A_128 = arith.constant 0 : i32
        %dma_wait3A_129 = arith.constant 0 : i32
        %dma_wait3A_130 = tpu.memref_slice %arg11[%dma_wait3A_128, %dma_wait3A_129] : memref<10112x32xf32, #tpu.memory_space<vmem_shared>> -> memref<10112x32xf32, #tpu.memory_space<vmem_shared>>
        tpu.wait_indirect_dma semaphore(%run_scoped3A_110 : memref<!tpu.dma_semaphore, #tpu.memory_space<semaphore_mem>>) src(%dma_wait3A_124 : memref<128x32xf32, #tpu.memory_space<vmem>>) dst(%dma_wait3A_130 : memref<10112x32xf32, #tpu.memory_space<vmem_shared>>)
        tpu.yield
      }) : () -> ()
      %mul3A_73 = arith.constant 2 : i32
      %mul3A_74 = arith.muli %scan3A_37, %mul3A_73 : i32
      %add3A_75 = arith.constant 1 : i32
      %add3A_76 = arith.addi %mul3A_74, %add3A_75 : i32
      %add3A_77 = arith.constant 1 : i32
      %add3A_78 = arith.addi %add3A_76, %add3A_77 : i32
      %min3A_79 = arith.constant 79 : i32
      %min3A_80 = arith.minsi %add3A_78, %min3A_79 : i32
      %dma_start3A_81 = arith.constant 0 : i32
      %dma_start3A_82 = arith.constant 0 : i32
      %dma_start3A_83 = arith.constant 0 : i32
      %dma_start3A_84 = arith.constant 0 : i32
      %dma_start3A_85 = tpu.memref_slice %arg9[%dma_start3A_81, %dma_start3A_83, %dma_start3A_84] : memref<2x128x32xf32, #tpu.memory_space<vmem>> -> memref<1x128x32xf32, #tpu.memory_space<vmem>>
      %dma_start3A_86 = tpu.memref_squeeze %dma_start3A_85 : memref<1x128x32xf32, #tpu.memory_space<vmem>> -> memref<128x32xf32, #tpu.memory_space<vmem>>
      %dma_start3A_87 = arith.constant 0 : i32
      %dma_start3A_88 = tpu.memref_slice %arg7[%min3A_80, %dma_start3A_87] : memref<80x128xi32, #tpu.memory_space<vmem>> -> memref<1x128xi32, #tpu.memory_space<vmem>>
      %dma_start3A_89 = tpu.memref_squeeze %dma_start3A_88 : memref<1x128xi32, #tpu.memory_space<vmem>> -> memref<128xi32, #tpu.memory_space<vmem>>
      %dma_start3A_90 = arith.constant 0 : i32
      %dma_start3A_91 = arith.constant 0 : i32
      %dma_start3A_92 = tpu.memref_slice %arg10[%dma_start3A_90, %dma_start3A_91] : memref<10112x32xf32, #tpu.memory_space<vmem_shared>> -> memref<10112x32xf32, #tpu.memory_space<vmem_shared>>
      %dma_start3A_93 = tpu.memref_slice %arg12[%dma_start3A_82] : memref<2x!tpu.dma_semaphore, #tpu.memory_space<semaphore_mem>> -> memref<1x!tpu.dma_semaphore, #tpu.memory_space<semaphore_mem>>
      %dma_start3A_94 = tpu.memref_squeeze %dma_start3A_93 : memref<1x!tpu.dma_semaphore, #tpu.memory_space<semaphore_mem>> -> memref<!tpu.dma_semaphore, #tpu.memory_space<semaphore_mem>>
      tpu.enqueue_indirect_dma source(%dma_start3A_92 : memref<10112x32xf32, #tpu.memory_space<vmem_shared>>) target(%dma_start3A_86 : memref<128x32xf32, #tpu.memory_space<vmem>>) offsets(%dma_start3A_89 : memref<128xi32, #tpu.memory_space<vmem>>) semaphore(%dma_start3A_94 : memref<!tpu.dma_semaphore, #tpu.memory_space<semaphore_mem>>)
      %dma_wait3A_95 = arith.constant 1 : i32
      %dma_wait3A_96 = arith.constant 1 : i32
      %dma_wait3A_97 = arith.constant 0 : i32
      %dma_wait3A_98 = arith.constant 0 : i32
      %dma_wait3A_99 = tpu.memref_slice %arg9[%dma_wait3A_95, %dma_wait3A_97, %dma_wait3A_98] : memref<2x128x32xf32, #tpu.memory_space<vmem>> -> memref<1x128x32xf32, #tpu.memory_space<vmem>>
      %dma_wait3A_100 = tpu.memref_squeeze %dma_wait3A_99 : memref<1x128x32xf32, #tpu.memory_space<vmem>> -> memref<128x32xf32, #tpu.memory_space<vmem>>
      %dma_wait3A_101 = arith.constant 0 : i32
      %dma_wait3A_102 = tpu.memref_slice %arg7[%add3A_76, %dma_wait3A_101] : memref<80x128xi32, #tpu.memory_space<vmem>> -> memref<1x128xi32, #tpu.memory_space<vmem>>
      %dma_wait3A_103 = tpu.memref_squeeze %dma_wait3A_102 : memref<1x128xi32, #tpu.memory_space<vmem>> -> memref<128xi32, #tpu.memory_space<vmem>>
      %dma_wait3A_104 = arith.constant 0 : i32
      %dma_wait3A_105 = arith.constant 0 : i32
      %dma_wait3A_106 = tpu.memref_slice %arg10[%dma_wait3A_104, %dma_wait3A_105] : memref<10112x32xf32, #tpu.memory_space<vmem_shared>> -> memref<10112x32xf32, #tpu.memory_space<vmem_shared>>
      %dma_wait3A_107 = tpu.memref_slice %arg12[%dma_wait3A_96] : memref<2x!tpu.dma_semaphore, #tpu.memory_space<semaphore_mem>> -> memref<1x!tpu.dma_semaphore, #tpu.memory_space<semaphore_mem>>
      %dma_wait3A_108 = tpu.memref_squeeze %dma_wait3A_107 : memref<1x!tpu.dma_semaphore, #tpu.memory_space<semaphore_mem>> -> memref<!tpu.dma_semaphore, #tpu.memory_space<semaphore_mem>>
      tpu.wait_indirect_dma semaphore(%dma_wait3A_108 : memref<!tpu.dma_semaphore, #tpu.memory_space<semaphore_mem>>) src(%dma_wait3A_106 : memref<10112x32xf32, #tpu.memory_space<vmem_shared>>) dst(%dma_wait3A_100 : memref<128x32xf32, #tpu.memory_space<vmem>>)
      %run_scoped3A_109 = arith.constant 1 : i32
      "tpu.region"() ({
        %run_scoped3A_110 = tpu.sem_alloc : memref<!tpu.dma_semaphore, #tpu.memory_space<semaphore_mem>>
        %dma_start3A_111 = arith.constant 0 : i32
        %dma_start3A_112 = arith.constant 0 : i32
        %dma_start3A_113 = tpu.memref_slice %arg9[%run_scoped3A_109, %dma_start3A_111, %dma_start3A_112] : memref<2x128x32xf32, #tpu.memory_space<vmem>> -> memref<1x128x32xf32, #tpu.memory_space<vmem>>
        %dma_start3A_114 = tpu.memref_squeeze %dma_start3A_113 : memref<1x128x32xf32, #tpu.memory_space<vmem>> -> memref<128x32xf32, #tpu.memory_space<vmem>>
        %dma_start3A_115 = arith.constant 0 : i32
        %dma_start3A_116 = tpu.memref_slice %arg8[%add3A_76, %dma_start3A_115] : memref<80x128xi32, #tpu.memory_space<vmem>> -> memref<1x128xi32, #tpu.memory_space<vmem>>
        %dma_start3A_117 = tpu.memref_squeeze %dma_start3A_116 : memref<1x128xi32, #tpu.memory_space<vmem>> -> memref<128xi32, #tpu.memory_space<vmem>>
        %dma_start3A_118 = arith.constant 0 : i32
        %dma_start3A_119 = arith.constant 0 : i32
        %dma_start3A_120 = tpu.memref_slice %arg11[%dma_start3A_118, %dma_start3A_119] : memref<10112x32xf32, #tpu.memory_space<vmem_shared>> -> memref<10112x32xf32, #tpu.memory_space<vmem_shared>>
        tpu.enqueue_indirect_dma source(%dma_start3A_114 : memref<128x32xf32, #tpu.memory_space<vmem>>) target(%dma_start3A_120 : memref<10112x32xf32, #tpu.memory_space<vmem_shared>>) offsets(%dma_start3A_117 : memref<128xi32, #tpu.memory_space<vmem>>) semaphore(%run_scoped3A_110 : memref<!tpu.dma_semaphore, #tpu.memory_space<semaphore_mem>>) {add = true}
        %dma_wait3A_121 = arith.constant 0 : i32
        %dma_wait3A_122 = arith.constant 0 : i32
        %dma_wait3A_123 = tpu.memref_slice %arg9[%run_scoped3A_109, %dma_wait3A_121, %dma_wait3A_122] : memref<2x128x32xf32, #tpu.memory_space<vmem>> -> memref<1x128x32xf32, #tpu.memory_space<vmem>>
        %dma_wait3A_124 = tpu.memref_squeeze %dma_wait3A_123 : memref<1x128x32xf32, #tpu.memory_space<vmem>> -> memref<128x32xf32, #tpu.memory_space<vmem>>
        %dma_wait3A_125 = arith.constant 0 : i32
        %dma_wait3A_126 = tpu.memref_slice %arg8[%add3A_76, %dma_wait3A_125] : memref<80x128xi32, #tpu.memory_space<vmem>> -> memref<1x128xi32, #tpu.memory_space<vmem>>
        %dma_wait3A_127 = tpu.memref_squeeze %dma_wait3A_126 : memref<1x128xi32, #tpu.memory_space<vmem>> -> memref<128xi32, #tpu.memory_space<vmem>>
        %dma_wait3A_128 = arith.constant 0 : i32
        %dma_wait3A_129 = arith.constant 0 : i32
        %dma_wait3A_130 = tpu.memref_slice %arg11[%dma_wait3A_128, %dma_wait3A_129] : memref<10112x32xf32, #tpu.memory_space<vmem_shared>> -> memref<10112x32xf32, #tpu.memory_space<vmem_shared>>
        tpu.wait_indirect_dma semaphore(%run_scoped3A_110 : memref<!tpu.dma_semaphore, #tpu.memory_space<semaphore_mem>>) src(%dma_wait3A_124 : memref<128x32xf32, #tpu.memory_space<vmem>>) dst(%dma_wait3A_130 : memref<10112x32xf32, #tpu.memory_space<vmem_shared>>)
        tpu.yield
      }) : () -> ()
    }
    %scan3A_21 = arith.constant 40 : i32
    %dma_wait3A = arith.constant 0 : i32
    %dma_wait3A_22 = arith.constant 0 : i32
    %dma_wait3A_23 = arith.constant 0 : i32
    %dma_wait3A_24 = arith.constant 0 : i32
    %dma_wait3A_25 = arith.constant 0 : i32
    %dma_wait3A_26 = tpu.memref_slice %arg9[%dma_wait3A_22, %dma_wait3A_24, %dma_wait3A_25] : memref<2x128x32xf32, #tpu.memory_space<vmem>> -> memref<1x128x32xf32, #tpu.memory_space<vmem>>
    %dma_wait3A_27 = tpu.memref_squeeze %dma_wait3A_26 : memref<1x128x32xf32, #tpu.memory_space<vmem>> -> memref<128x32xf32, #tpu.memory_space<vmem>>
    %dma_wait3A_28 = arith.constant 0 : i32
    %dma_wait3A_29 = tpu.memref_slice %arg7[%dma_wait3A, %dma_wait3A_28] : memref<80x128xi32, #tpu.memory_space<vmem>> -> memref<1x128xi32, #tpu.memory_space<vmem>>
    %dma_wait3A_30 = tpu.memref_squeeze %dma_wait3A_29 : memref<1x128xi32, #tpu.memory_space<vmem>> -> memref<128xi32, #tpu.memory_space<vmem>>
    %dma_wait3A_31 = arith.constant 0 : i32
    %dma_wait3A_32 = arith.constant 0 : i32
    %dma_wait3A_33 = tpu.memref_slice %arg10[%dma_wait3A_31, %dma_wait3A_32] : memref<10112x32xf32, #tpu.memory_space<vmem_shared>> -> memref<10112x32xf32, #tpu.memory_space<vmem_shared>>
    %dma_wait3A_34 = tpu.memref_slice %arg12[%dma_wait3A_23] : memref<2x!tpu.dma_semaphore, #tpu.memory_space<semaphore_mem>> -> memref<1x!tpu.dma_semaphore, #tpu.memory_space<semaphore_mem>>
    %dma_wait3A_35 = tpu.memref_squeeze %dma_wait3A_34 : memref<1x!tpu.dma_semaphore, #tpu.memory_space<semaphore_mem>> -> memref<!tpu.dma_semaphore, #tpu.memory_space<semaphore_mem>>
    tpu.wait_indirect_dma semaphore(%dma_wait3A_35 : memref<!tpu.dma_semaphore, #tpu.memory_space<semaphore_mem>>) src(%dma_wait3A_33 : memref<10112x32xf32, #tpu.memory_space<vmem_shared>>) dst(%dma_wait3A_27 : memref<128x32xf32, #tpu.memory_space<vmem>>)
    %barrier3A_36 = arith.constant 0 : index
    tpu.barrier barrier_id(%barrier3A_36)
    "tpu.region"() ({
      %run_scoped3A = tpu.sem_alloc : memref<!tpu.dma_semaphore, #tpu.memory_space<semaphore_mem>>
      %dma_start3A_37 = arith.constant 0 : i32
      %dma_start3A_38 = tpu.memref_slice %arg6[%arg0, %mul3A_2, %dma_start3A_37] : memref<2x10112x32xf32, #tpu.memory_space<hbm>> -> memref<1x632x32xf32, #tpu.memory_space<hbm>>
      %dma_start3A_39 = tpu.memref_squeeze %dma_start3A_38 : memref<1x632x32xf32, #tpu.memory_space<hbm>> -> memref<632x32xf32, #tpu.memory_space<hbm>>
      %dma_start3A_40 = arith.constant 0 : i32
      %dma_start3A_41 = tpu.memref_slice %arg11[%mul3A_2, %dma_start3A_40] : memref<10112x32xf32, #tpu.memory_space<vmem_shared>> -> memref<632x32xf32, #tpu.memory_space<vmem_shared>>
      tpu.enqueue_dma source(%dma_start3A_41 : memref<632x32xf32, #tpu.memory_space<vmem_shared>>) target(%dma_start3A_39 : memref<632x32xf32, #tpu.memory_space<hbm>>) target_semaphore(%run_scoped3A : memref<!tpu.dma_semaphore, #tpu.memory_space<semaphore_mem>>)
      %dma_wait3A_42 = arith.constant 0 : i32
      %dma_wait3A_43 = tpu.memref_slice %arg6[%arg0, %mul3A_2, %dma_wait3A_42] : memref<2x10112x32xf32, #tpu.memory_space<hbm>> -> memref<1x632x32xf32, #tpu.memory_space<hbm>>
      %dma_wait3A_44 = tpu.memref_squeeze %dma_wait3A_43 : memref<1x632x32xf32, #tpu.memory_space<hbm>> -> memref<632x32xf32, #tpu.memory_space<hbm>>
      %dma_wait3A_45 = arith.constant 0 : i32
      %dma_wait3A_46 = tpu.memref_slice %arg11[%mul3A_2, %dma_wait3A_45] : memref<10112x32xf32, #tpu.memory_space<vmem_shared>> -> memref<632x32xf32, #tpu.memory_space<vmem_shared>>
      tpu.wait_dma2 semaphore(%run_scoped3A : memref<!tpu.dma_semaphore, #tpu.memory_space<semaphore_mem>>) src(%dma_wait3A_46 : memref<632x32xf32, #tpu.memory_space<vmem_shared>>) dst(%dma_wait3A_44 : memref<632x32xf32, #tpu.memory_space<hbm>>)
      tpu.yield
    }) : () -> ()
    return
  }
}

#map = affine_map<(d0, d1) -> (0, 0, 0)>
#map1 = affine_map<(d0, d1) -> (0, 0)>
module attributes {stable_mosaic.version = 14 : i64} {
  func.func @conv(%arg0: i32, %arg1: i32, %arg2: memref<32x80x128xi32, #tpu.memory_space<hbm>>, %arg3: memref<32x80x128xi32, #tpu.memory_space<hbm>>, %arg4: memref<10112x32xf32, #tpu.memory_space<hbm>>, %arg5: memref<10112x32xf32, #tpu.memory_space<hbm>>, %arg6: memref<2x10112x32xf32, #tpu.memory_space<hbm>>, %arg7: memref<80x128xi32, #tpu.memory_space<vmem>>, %arg8: memref<80x128xi32, #tpu.memory_space<vmem>>, %arg9: memref<2x128x32xf32, #tpu.memory_space<vmem>>, %arg10: memref<10112x32xf32, #tpu.memory_space<vmem_shared>>, %arg11: memref<10112x32xf32, #tpu.memory_space<vmem_shared>>, %arg12: memref<2x!tpu.dma_semaphore, #tpu.memory_space<semaphore_mem>>) attributes {dimension_semantics = [#tpu.dimension_semantics<core_parallel>, #tpu.dimension_semantics<subcore_parallel>], iteration_bounds = array<i64: 2, 16>, scalar_prefetch = 0 : i64, scratch_operands = 6 : i64, tpu.core_type = #tpu.core_type<sc_vector_subcore>, window_params = [{transform_indices = #map}, {transform_indices = #map}, {transform_indices = #map1}, {transform_indices = #map1}, {transform_indices = #map}]} {
    %mul3A = arith.constant 16 : i32
    %mul3A_0 = arith.muli %arg0, %mul3A : i32
    %add3A = arith.addi %mul3A_0, %arg1 : i32
    "tpu.region"() ({
      %run_scoped3A = tpu.sem_alloc : memref<!tpu.dma_semaphore, #tpu.memory_space<semaphore_mem>>
      %dma_start3A_37 = arith.constant 0 : i32
      %dma_start3A_38 = arith.constant 0 : i32
      %dma_start3A_39 = tpu.memref_slice %arg2[%add3A, %dma_start3A_37, %dma_start3A_38] : memref<32x80x128xi32, #tpu.memory_space<hbm>> -> memref<1x80x128xi32, #tpu.memory_space<hbm>>
      %dma_start3A_40 = tpu.memref_squeeze %dma_start3A_39 : memref<1x80x128xi32, #tpu.memory_space<hbm>> -> memref<80x128xi32, #tpu.memory_space<hbm>>
      %dma_start3A_41 = arith.constant 0 : i32
      %dma_start3A_42 = arith.constant 0 : i32
      %dma_start3A_43 = tpu.memref_slice %arg2[%add3A, %dma_start3A_41, %dma_start3A_42] : memref<32x80x128xi32, #tpu.memory_space<hbm>> -> memref<1x80x128xi32, #tpu.memory_space<hbm>>
      %dma_start3A_44 = tpu.memref_squeeze %dma_start3A_43 : memref<1x80x128xi32, #tpu.memory_space<hbm>> -> memref<80x128xi32, #tpu.memory_space<hbm>>
      tpu.enqueue_dma source(%dma_start3A_44 : memref<80x128xi32, #tpu.memory_space<hbm>>) target(%arg7 : memref<80x128xi32, #tpu.memory_space<vmem>>) target_semaphore(%run_scoped3A : memref<!tpu.dma_semaphore, #tpu.memory_space<semaphore_mem>>)
      %dma_wait3A_45 = arith.constant 0 : i32
      %dma_wait3A_46 = arith.constant 0 : i32
      %dma_wait3A_47 = tpu.memref_slice %arg2[%add3A, %dma_wait3A_45, %dma_wait3A_46] : memref<32x80x128xi32, #tpu.memory_space<hbm>> -> memref<1x80x128xi32, #tpu.memory_space<hbm>>
      %dma_wait3A_48 = tpu.memref_squeeze %dma_wait3A_47 : memref<1x80x128xi32, #tpu.memory_space<hbm>> -> memref<80x128xi32, #tpu.memory_space<hbm>>
      %dma_wait3A_49 = arith.constant 0 : i32
      %dma_wait3A_50 = arith.constant 0 : i32
      %dma_wait3A_51 = tpu.memref_slice %arg2[%add3A, %dma_wait3A_49, %dma_wait3A_50] : memref<32x80x128xi32, #tpu.memory_space<hbm>> -> memref<1x80x128xi32, #tpu.memory_space<hbm>>
      %dma_wait3A_52 = tpu.memref_squeeze %dma_wait3A_51 : memref<1x80x128xi32, #tpu.memory_space<hbm>> -> memref<80x128xi32, #tpu.memory_space<hbm>>
      tpu.wait_dma2 semaphore(%run_scoped3A : memref<!tpu.dma_semaphore, #tpu.memory_space<semaphore_mem>>) src(%dma_wait3A_52 : memref<80x128xi32, #tpu.memory_space<hbm>>) dst(%arg7 : memref<80x128xi32, #tpu.memory_space<vmem>>)
      tpu.yield
    }) : () -> ()
    "tpu.region"() ({
      %run_scoped3A = tpu.sem_alloc : memref<!tpu.dma_semaphore, #tpu.memory_space<semaphore_mem>>
      %dma_start3A_37 = arith.constant 0 : i32
      %dma_start3A_38 = arith.constant 0 : i32
      %dma_start3A_39 = tpu.memref_slice %arg3[%add3A, %dma_start3A_37, %dma_start3A_38] : memref<32x80x128xi32, #tpu.memory_space<hbm>> -> memref<1x80x128xi32, #tpu.memory_space<hbm>>
      %dma_start3A_40 = tpu.memref_squeeze %dma_start3A_39 : memref<1x80x128xi32, #tpu.memory_space<hbm>> -> memref<80x128xi32, #tpu.memory_space<hbm>>
      %dma_start3A_41 = arith.constant 0 : i32
      %dma_start3A_42 = arith.constant 0 : i32
      %dma_start3A_43 = tpu.memref_slice %arg3[%add3A, %dma_start3A_41, %dma_start3A_42] : memref<32x80x128xi32, #tpu.memory_space<hbm>> -> memref<1x80x128xi32, #tpu.memory_space<hbm>>
      %dma_start3A_44 = tpu.memref_squeeze %dma_start3A_43 : memref<1x80x128xi32, #tpu.memory_space<hbm>> -> memref<80x128xi32, #tpu.memory_space<hbm>>
      tpu.enqueue_dma source(%dma_start3A_44 : memref<80x128xi32, #tpu.memory_space<hbm>>) target(%arg8 : memref<80x128xi32, #tpu.memory_space<vmem>>) target_semaphore(%run_scoped3A : memref<!tpu.dma_semaphore, #tpu.memory_space<semaphore_mem>>)
      %dma_wait3A_45 = arith.constant 0 : i32
      %dma_wait3A_46 = arith.constant 0 : i32
      %dma_wait3A_47 = tpu.memref_slice %arg3[%add3A, %dma_wait3A_45, %dma_wait3A_46] : memref<32x80x128xi32, #tpu.memory_space<hbm>> -> memref<1x80x128xi32, #tpu.memory_space<hbm>>
      %dma_wait3A_48 = tpu.memref_squeeze %dma_wait3A_47 : memref<1x80x128xi32, #tpu.memory_space<hbm>> -> memref<80x128xi32, #tpu.memory_space<hbm>>
      %dma_wait3A_49 = arith.constant 0 : i32
      %dma_wait3A_50 = arith.constant 0 : i32
      %dma_wait3A_51 = tpu.memref_slice %arg3[%add3A, %dma_wait3A_49, %dma_wait3A_50] : memref<32x80x128xi32, #tpu.memory_space<hbm>> -> memref<1x80x128xi32, #tpu.memory_space<hbm>>
      %dma_wait3A_52 = tpu.memref_squeeze %dma_wait3A_51 : memref<1x80x128xi32, #tpu.memory_space<hbm>> -> memref<80x128xi32, #tpu.memory_space<hbm>>
      tpu.wait_dma2 semaphore(%run_scoped3A : memref<!tpu.dma_semaphore, #tpu.memory_space<semaphore_mem>>) src(%dma_wait3A_52 : memref<80x128xi32, #tpu.memory_space<hbm>>) dst(%arg8 : memref<80x128xi32, #tpu.memory_space<vmem>>)
      tpu.yield
    }) : () -> ()
    %mul3A_1 = arith.constant 632 : i32
    %mul3A_2 = arith.muli %arg1, %mul3A_1 : i32
    "tpu.region"() ({
      %run_scoped3A = tpu.sem_alloc : memref<!tpu.dma_semaphore, #tpu.memory_space<semaphore_mem>>
      %dma_start3A_37 = arith.constant 0 : i32
      %dma_start3A_38 = tpu.memref_slice %arg10[%mul3A_2, %dma_start3A_37] : memref<10112x32xf32, #tpu.memory_space<vmem_shared>> -> memref<632x32xf32, #tpu.memory_space<vmem_shared>>
      %dma_start3A_39 = arith.constant 0 : i32
      %dma_start3A_40 = tpu.memref_slice %arg4[%mul3A_2, %dma_start3A_39] : memref<10112x32xf32, #tpu.memory_space<hbm>> -> memref<632x32xf32, #tpu.memory_space<hbm>>
      tpu.enqueue_dma source(%dma_start3A_40 : memref<632x32xf32, #tpu.memory_space<hbm>>) target(%dma_start3A_38 : memref<632x32xf32, #tpu.memory_space<vmem_shared>>) target_semaphore(%run_scoped3A : memref<!tpu.dma_semaphore, #tpu.memory_space<semaphore_mem>>)
      %dma_wait3A_41 = arith.constant 0 : i32
      %dma_wait3A_42 = tpu.memref_slice %arg10[%mul3A_2, %dma_wait3A_41] : memref<10112x32xf32, #tpu.memory_space<vmem_shared>> -> memref<632x32xf32, #tpu.memory_space<vmem_shared>>
      %dma_wait3A_43 = arith.constant 0 : i32
      %dma_wait3A_44 = tpu.memref_slice %arg4[%mul3A_2, %dma_wait3A_43] : memref<10112x32xf32, #tpu.memory_space<hbm>> -> memref<632x32xf32, #tpu.memory_space<hbm>>
      tpu.wait_dma2 semaphore(%run_scoped3A : memref<!tpu.dma_semaphore, #tpu.memory_space<semaphore_mem>>) src(%dma_wait3A_44 : memref<632x32xf32, #tpu.memory_space<hbm>>) dst(%dma_wait3A_42 : memref<632x32xf32, #tpu.memory_space<vmem_shared>>)
      tpu.yield
    }) : () -> ()
    "tpu.region"() ({
      %run_scoped3A = tpu.sem_alloc : memref<!tpu.dma_semaphore, #tpu.memory_space<semaphore_mem>>
      %dma_start3A_37 = arith.constant 0 : i32
      %dma_start3A_38 = tpu.memref_slice %arg11[%mul3A_2, %dma_start3A_37] : memref<10112x32xf32, #tpu.memory_space<vmem_shared>> -> memref<632x32xf32, #tpu.memory_space<vmem_shared>>
      %dma_start3A_39 = arith.constant 0 : i32
      %dma_start3A_40 = tpu.memref_slice %arg5[%mul3A_2, %dma_start3A_39] : memref<10112x32xf32, #tpu.memory_space<hbm>> -> memref<632x32xf32, #tpu.memory_space<hbm>>
      tpu.enqueue_dma source(%dma_start3A_40 : memref<632x32xf32, #tpu.memory_space<hbm>>) target(%dma_start3A_38 : memref<632x32xf32, #tpu.memory_space<vmem_shared>>) target_semaphore(%run_scoped3A : memref<!tpu.dma_semaphore, #tpu.memory_space<semaphore_mem>>)
      %dma_wait3A_41 = arith.constant 0 : i32
      %dma_wait3A_42 = tpu.memref_slice %arg11[%mul3A_2, %dma_wait3A_41] : memref<10112x32xf32, #tpu.memory_space<vmem_shared>> -> memref<632x32xf32, #tpu.memory_space<vmem_shared>>
      %dma_wait3A_43 = arith.constant 0 : i32
      %dma_wait3A_44 = tpu.memref_slice %arg5[%mul3A_2, %dma_wait3A_43] : memref<10112x32xf32, #tpu.memory_space<hbm>> -> memref<632x32xf32, #tpu.memory_space<hbm>>
      tpu.wait_dma2 semaphore(%run_scoped3A : memref<!tpu.dma_semaphore, #tpu.memory_space<semaphore_mem>>) src(%dma_wait3A_44 : memref<632x32xf32, #tpu.memory_space<hbm>>) dst(%dma_wait3A_42 : memref<632x32xf32, #tpu.memory_space<vmem_shared>>)
      tpu.yield
    }) : () -> ()
    %barrier3A = arith.constant 0 : index
    tpu.barrier barrier_id(%barrier3A)
    %dma_start3A = arith.constant 0 : i32
    %dma_start3A_3 = arith.constant 0 : i32
    %dma_start3A_4 = arith.constant 0 : i32
    %dma_start3A_5 = arith.constant 0 : i32
    %dma_start3A_6 = arith.constant 0 : i32
    %dma_start3A_7 = tpu.memref_slice %arg9[%dma_start3A_3, %dma_start3A_5, %dma_start3A_6] : memref<2x128x32xf32, #tpu.memory_space<vmem>> -> memref<1x128x32xf32, #tpu.memory_space<vmem>>
    %dma_start3A_8 = tpu.memref_squeeze %dma_start3A_7 : memref<1x128x32xf32, #tpu.memory_space<vmem>> -> memref<128x32xf32, #tpu.memory_space<vmem>>
    %dma_start3A_9 = arith.constant 0 : i32
    %dma_start3A_10 = tpu.memref_slice %arg7[%dma_start3A, %dma_start3A_9] : memref<80x128xi32, #tpu.memory_space<vmem>> -> memref<1x128xi32, #tpu.memory_space<vmem>>
    %dma_start3A_11 = tpu.memref_squeeze %dma_start3A_10 : memref<1x128xi32, #tpu.memory_space<vmem>> -> memref<128xi32, #tpu.memory_space<vmem>>
    %dma_start3A_12 = arith.constant 0 : i32
    %dma_start3A_13 = arith.constant 0 : i32
    %dma_start3A_14 = tpu.memref_slice %arg10[%dma_start3A_12, %dma_start3A_13] : memref<10112x32xf32, #tpu.memory_space<vmem_shared>> -> memref<10112x32xf32, #tpu.memory_space<vmem_shared>>
    %dma_start3A_15 = tpu.memref_slice %arg12[%dma_start3A_4] : memref<2x!tpu.dma_semaphore, #tpu.memory_space<semaphore_mem>> -> memref<1x!tpu.dma_semaphore, #tpu.memory_space<semaphore_mem>>
    %dma_start3A_16 = tpu.memref_squeeze %dma_start3A_15 : memref<1x!tpu.dma_semaphore, #tpu.memory_space<semaphore_mem>> -> memref<!tpu.dma_semaphore, #tpu.memory_space<semaphore_mem>>
    tpu.enqueue_indirect_dma source(%dma_start3A_14 : memref<10112x32xf32, #tpu.memory_space<vmem_shared>>) target(%dma_start3A_8 : memref<128x32xf32, #tpu.memory_space<vmem>>) offsets(%dma_start3A_11 : memref<128xi32, #tpu.memory_space<vmem>>) semaphore(%dma_start3A_16 : memref<!tpu.dma_semaphore, #tpu.memory_space<semaphore_mem>>)
    %scan3A = arith.constant 0 : i32
    %scan3A_17 = arith.constant 0 : i32
    %scan3A_18 = arith.constant 40 : i32
    %scan3A_19 = arith.addi %scan3A_17, %scan3A_18 : i32
    %scan3A_20 = arith.constant 1 : i32
    scf.for %scan3A_37 = %scan3A_17 to %scan3A_19 step %scan3A_20  : i32 {
      %mul3A_38 = arith.constant 2 : i32
      %mul3A_39 = arith.muli %scan3A_37, %mul3A_38 : i32
      %add3A_40 = arith.constant 0 : i32
      %add3A_41 = arith.addi %mul3A_39, %add3A_40 : i32
      %add3A_42 = arith.constant 1 : i32
      %add3A_43 = arith.addi %add3A_41, %add3A_42 : i32
      %min3A = arith.constant 79 : i32
      %min3A_44 = arith.minsi %add3A_43, %min3A : i32
      %dma_start3A_45 = arith.constant 1 : i32
      %dma_start3A_46 = arith.constant 1 : i32
      %dma_start3A_47 = arith.constant 0 : i32
      %dma_start3A_48 = arith.constant 0 : i32
      %dma_start3A_49 = tpu.memref_slice %arg9[%dma_start3A_45, %dma_start3A_47, %dma_start3A_48] : memref<2x128x32xf32, #tpu.memory_space<vmem>> -> memref<1x128x32xf32, #tpu.memory_space<vmem>>
      %dma_start3A_50 = tpu.memref_squeeze %dma_start3A_49 : memref<1x128x32xf32, #tpu.memory_space<vmem>> -> memref<128x32xf32, #tpu.memory_space<vmem>>
      %dma_start3A_51 = arith.constant 0 : i32
      %dma_start3A_52 = tpu.memref_slice %arg7[%min3A_44, %dma_start3A_51] : memref<80x128xi32, #tpu.memory_space<vmem>> -> memref<1x128xi32, #tpu.memory_space<vmem>>
      %dma_start3A_53 = tpu.memref_squeeze %dma_start3A_52 : memref<1x128xi32, #tpu.memory_space<vmem>> -> memref<128xi32, #tpu.memory_space<vmem>>
      %dma_start3A_54 = arith.constant 0 : i32
      %dma_start3A_55 = arith.constant 0 : i32
      %dma_start3A_56 = tpu.memref_slice %arg10[%dma_start3A_54, %dma_start3A_55] : memref<10112x32xf32, #tpu.memory_space<vmem_shared>> -> memref<10112x32xf32, #tpu.memory_space<vmem_shared>>
      %dma_start3A_57 = tpu.memref_slice %arg12[%dma_start3A_46] : memref<2x!tpu.dma_semaphore, #tpu.memory_space<semaphore_mem>> -> memref<1x!tpu.dma_semaphore, #tpu.memory_space<semaphore_mem>>
      %dma_start3A_58 = tpu.memref_squeeze %dma_start3A_57 : memref<1x!tpu.dma_semaphore, #tpu.memory_space<semaphore_mem>> -> memref<!tpu.dma_semaphore, #tpu.memory_space<semaphore_mem>>
      tpu.enqueue_indirect_dma source(%dma_start3A_56 : memref<10112x32xf32, #tpu.memory_space<vmem_shared>>) target(%dma_start3A_50 : memref<128x32xf32, #tpu.memory_space<vmem>>) offsets(%dma_start3A_53 : memref<128xi32, #tpu.memory_space<vmem>>) semaphore(%dma_start3A_58 : memref<!tpu.dma_semaphore, #tpu.memory_space<semaphore_mem>>)
      %dma_wait3A_59 = arith.constant 0 : i32
      %dma_wait3A_60 = arith.constant 0 : i32
      %dma_wait3A_61 = arith.constant 0 : i32
      %dma_wait3A_62 = arith.constant 0 : i32
      %dma_wait3A_63 = tpu.memref_slice %arg9[%dma_wait3A_59, %dma_wait3A_61, %dma_wait3A_62] : memref<2x128x32xf32, #tpu.memory_space<vmem>> -> memref<1x128x32xf32, #tpu.memory_space<vmem>>
      %dma_wait3A_64 = tpu.memref_squeeze %dma_wait3A_63 : memref<1x128x32xf32, #tpu.memory_space<vmem>> -> memref<128x32xf32, #tpu.memory_space<vmem>>
      %dma_wait3A_65 = arith.constant 0 : i32
      %dma_wait3A_66 = tpu.memref_slice %arg7[%add3A_41, %dma_wait3A_65] : memref<80x128xi32, #tpu.memory_space<vmem>> -> memref<1x128xi32, #tpu.memory_space<vmem>>
      %dma_wait3A_67 = tpu.memref_squeeze %dma_wait3A_66 : memref<1x128xi32, #tpu.memory_space<vmem>> -> memref<128xi32, #tpu.memory_space<vmem>>
      %dma_wait3A_68 = arith.constant 0 : i32
      %dma_wait3A_69 = arith.constant 0 : i32
      %dma_wait3A_70 = tpu.memref_slice %arg10[%dma_wait3A_68, %dma_wait3A_69] : memref<10112x32xf32, #tpu.memory_space<vmem_shared>> -> memref<10112x32xf32, #tpu.memory_space<vmem_shared>>
      %dma_wait3A_71 = tpu.memref_slice %arg12[%dma_wait3A_60] : memref<2x!tpu.dma_semaphore, #tpu.memory_space<semaphore_mem>> -> memref<1x!tpu.dma_semaphore, #tpu.memory_space<semaphore_mem>>
      %dma_wait3A_72 = tpu.memref_squeeze %dma_wait3A_71 : memref<1x!tpu.dma_semaphore, #tpu.memory_space<semaphore_mem>> -> memref<!tpu.dma_semaphore, #tpu.memory_space<semaphore_mem>>
      tpu.wait_indirect_dma semaphore(%dma_wait3A_72 : memref<!tpu.dma_semaphore, #tpu.memory_space<semaphore_mem>>) src(%dma_wait3A_70 : memref<10112x32xf32, #tpu.memory_space<vmem_shared>>) dst(%dma_wait3A_64 : memref<128x32xf32, #tpu.memory_space<vmem>>)
      %run_scoped3A = arith.constant 0 : i32
      "tpu.region"() ({
        %run_scoped3A_110 = tpu.sem_alloc : memref<!tpu.dma_semaphore, #tpu.memory_space<semaphore_mem>>
        %dma_start3A_111 = arith.constant 0 : i32
        %dma_start3A_112 = arith.constant 0 : i32
        %dma_start3A_113 = tpu.memref_slice %arg9[%run_scoped3A, %dma_start3A_111, %dma_start3A_112] : memref<2x128x32xf32, #tpu.memory_space<vmem>> -> memref<1x128x32xf32, #tpu.memory_space<vmem>>
        %dma_start3A_114 = tpu.memref_squeeze %dma_start3A_113 : memref<1x128x32xf32, #tpu.memory_space<vmem>> -> memref<128x32xf32, #tpu.memory_space<vmem>>
        %dma_start3A_115 = arith.constant 0 : i32
        %dma_start3A_116 = tpu.memref_slice %arg8[%add3A_41, %dma_start3A_115] : memref<80x128xi32, #tpu.memory_space<vmem>> -> memref<1x128xi32, #tpu.memory_space<vmem>>
        %dma_start3A_117 = tpu.memref_squeeze %dma_start3A_116 : memref<1x128xi32, #tpu.memory_space<vmem>> -> memref<128xi32, #tpu.memory_space<vmem>>
        %dma_start3A_118 = arith.constant 0 : i32
        %dma_start3A_119 = arith.constant 0 : i32
        %dma_start3A_120 = tpu.memref_slice %arg11[%dma_start3A_118, %dma_start3A_119] : memref<10112x32xf32, #tpu.memory_space<vmem_shared>> -> memref<10112x32xf32, #tpu.memory_space<vmem_shared>>
        tpu.enqueue_indirect_dma source(%dma_start3A_114 : memref<128x32xf32, #tpu.memory_space<vmem>>) target(%dma_start3A_120 : memref<10112x32xf32, #tpu.memory_space<vmem_shared>>) offsets(%dma_start3A_117 : memref<128xi32, #tpu.memory_space<vmem>>) semaphore(%run_scoped3A_110 : memref<!tpu.dma_semaphore, #tpu.memory_space<semaphore_mem>>) {add = true}
        %dma_wait3A_121 = arith.constant 0 : i32
        %dma_wait3A_122 = arith.constant 0 : i32
        %dma_wait3A_123 = tpu.memref_slice %arg9[%run_scoped3A, %dma_wait3A_121, %dma_wait3A_122] : memref<2x128x32xf32, #tpu.memory_space<vmem>> -> memref<1x128x32xf32, #tpu.memory_space<vmem>>
        %dma_wait3A_124 = tpu.memref_squeeze %dma_wait3A_123 : memref<1x128x32xf32, #tpu.memory_space<vmem>> -> memref<128x32xf32, #tpu.memory_space<vmem>>
        %dma_wait3A_125 = arith.constant 0 : i32
        %dma_wait3A_126 = tpu.memref_slice %arg8[%add3A_41, %dma_wait3A_125] : memref<80x128xi32, #tpu.memory_space<vmem>> -> memref<1x128xi32, #tpu.memory_space<vmem>>
        %dma_wait3A_127 = tpu.memref_squeeze %dma_wait3A_126 : memref<1x128xi32, #tpu.memory_space<vmem>> -> memref<128xi32, #tpu.memory_space<vmem>>
        %dma_wait3A_128 = arith.constant 0 : i32
        %dma_wait3A_129 = arith.constant 0 : i32
        %dma_wait3A_130 = tpu.memref_slice %arg11[%dma_wait3A_128, %dma_wait3A_129] : memref<10112x32xf32, #tpu.memory_space<vmem_shared>> -> memref<10112x32xf32, #tpu.memory_space<vmem_shared>>
        tpu.wait_indirect_dma semaphore(%run_scoped3A_110 : memref<!tpu.dma_semaphore, #tpu.memory_space<semaphore_mem>>) src(%dma_wait3A_124 : memref<128x32xf32, #tpu.memory_space<vmem>>) dst(%dma_wait3A_130 : memref<10112x32xf32, #tpu.memory_space<vmem_shared>>)
        tpu.yield
      }) : () -> ()
      %mul3A_73 = arith.constant 2 : i32
      %mul3A_74 = arith.muli %scan3A_37, %mul3A_73 : i32
      %add3A_75 = arith.constant 1 : i32
      %add3A_76 = arith.addi %mul3A_74, %add3A_75 : i32
      %add3A_77 = arith.constant 1 : i32
      %add3A_78 = arith.addi %add3A_76, %add3A_77 : i32
      %min3A_79 = arith.constant 79 : i32
      %min3A_80 = arith.minsi %add3A_78, %min3A_79 : i32
      %dma_start3A_81 = arith.constant 0 : i32
      %dma_start3A_82 = arith.constant 0 : i32
      %dma_start3A_83 = arith.constant 0 : i32
      %dma_start3A_84 = arith.constant 0 : i32
      %dma_start3A_85 = tpu.memref_slice %arg9[%dma_start3A_81, %dma_start3A_83, %dma_start3A_84] : memref<2x128x32xf32, #tpu.memory_space<vmem>> -> memref<1x128x32xf32, #tpu.memory_space<vmem>>
      %dma_start3A_86 = tpu.memref_squeeze %dma_start3A_85 : memref<1x128x32xf32, #tpu.memory_space<vmem>> -> memref<128x32xf32, #tpu.memory_space<vmem>>
      %dma_start3A_87 = arith.constant 0 : i32
      %dma_start3A_88 = tpu.memref_slice %arg7[%min3A_80, %dma_start3A_87] : memref<80x128xi32, #tpu.memory_space<vmem>> -> memref<1x128xi32, #tpu.memory_space<vmem>>
      %dma_start3A_89 = tpu.memref_squeeze %dma_start3A_88 : memref<1x128xi32, #tpu.memory_space<vmem>> -> memref<128xi32, #tpu.memory_space<vmem>>
      %dma_start3A_90 = arith.constant 0 : i32
      %dma_start3A_91 = arith.constant 0 : i32
      %dma_start3A_92 = tpu.memref_slice %arg10[%dma_start3A_90, %dma_start3A_91] : memref<10112x32xf32, #tpu.memory_space<vmem_shared>> -> memref<10112x32xf32, #tpu.memory_space<vmem_shared>>
      %dma_start3A_93 = tpu.memref_slice %arg12[%dma_start3A_82] : memref<2x!tpu.dma_semaphore, #tpu.memory_space<semaphore_mem>> -> memref<1x!tpu.dma_semaphore, #tpu.memory_space<semaphore_mem>>
      %dma_start3A_94 = tpu.memref_squeeze %dma_start3A_93 : memref<1x!tpu.dma_semaphore, #tpu.memory_space<semaphore_mem>> -> memref<!tpu.dma_semaphore, #tpu.memory_space<semaphore_mem>>
      tpu.enqueue_indirect_dma source(%dma_start3A_92 : memref<10112x32xf32, #tpu.memory_space<vmem_shared>>) target(%dma_start3A_86 : memref<128x32xf32, #tpu.memory_space<vmem>>) offsets(%dma_start3A_89 : memref<128xi32, #tpu.memory_space<vmem>>) semaphore(%dma_start3A_94 : memref<!tpu.dma_semaphore, #tpu.memory_space<semaphore_mem>>)
      %dma_wait3A_95 = arith.constant 1 : i32
      %dma_wait3A_96 = arith.constant 1 : i32
      %dma_wait3A_97 = arith.constant 0 : i32
      %dma_wait3A_98 = arith.constant 0 : i32
      %dma_wait3A_99 = tpu.memref_slice %arg9[%dma_wait3A_95, %dma_wait3A_97, %dma_wait3A_98] : memref<2x128x32xf32, #tpu.memory_space<vmem>> -> memref<1x128x32xf32, #tpu.memory_space<vmem>>
      %dma_wait3A_100 = tpu.memref_squeeze %dma_wait3A_99 : memref<1x128x32xf32, #tpu.memory_space<vmem>> -> memref<128x32xf32, #tpu.memory_space<vmem>>
      %dma_wait3A_101 = arith.constant 0 : i32
      %dma_wait3A_102 = tpu.memref_slice %arg7[%add3A_76, %dma_wait3A_101] : memref<80x128xi32, #tpu.memory_space<vmem>> -> memref<1x128xi32, #tpu.memory_space<vmem>>
      %dma_wait3A_103 = tpu.memref_squeeze %dma_wait3A_102 : memref<1x128xi32, #tpu.memory_space<vmem>> -> memref<128xi32, #tpu.memory_space<vmem>>
      %dma_wait3A_104 = arith.constant 0 : i32
      %dma_wait3A_105 = arith.constant 0 : i32
      %dma_wait3A_106 = tpu.memref_slice %arg10[%dma_wait3A_104, %dma_wait3A_105] : memref<10112x32xf32, #tpu.memory_space<vmem_shared>> -> memref<10112x32xf32, #tpu.memory_space<vmem_shared>>
      %dma_wait3A_107 = tpu.memref_slice %arg12[%dma_wait3A_96] : memref<2x!tpu.dma_semaphore, #tpu.memory_space<semaphore_mem>> -> memref<1x!tpu.dma_semaphore, #tpu.memory_space<semaphore_mem>>
      %dma_wait3A_108 = tpu.memref_squeeze %dma_wait3A_107 : memref<1x!tpu.dma_semaphore, #tpu.memory_space<semaphore_mem>> -> memref<!tpu.dma_semaphore, #tpu.memory_space<semaphore_mem>>
      tpu.wait_indirect_dma semaphore(%dma_wait3A_108 : memref<!tpu.dma_semaphore, #tpu.memory_space<semaphore_mem>>) src(%dma_wait3A_106 : memref<10112x32xf32, #tpu.memory_space<vmem_shared>>) dst(%dma_wait3A_100 : memref<128x32xf32, #tpu.memory_space<vmem>>)
      %run_scoped3A_109 = arith.constant 1 : i32
      "tpu.region"() ({
        %run_scoped3A_110 = tpu.sem_alloc : memref<!tpu.dma_semaphore, #tpu.memory_space<semaphore_mem>>
        %dma_start3A_111 = arith.constant 0 : i32
        %dma_start3A_112 = arith.constant 0 : i32
        %dma_start3A_113 = tpu.memref_slice %arg9[%run_scoped3A_109, %dma_start3A_111, %dma_start3A_112] : memref<2x128x32xf32, #tpu.memory_space<vmem>> -> memref<1x128x32xf32, #tpu.memory_space<vmem>>
        %dma_start3A_114 = tpu.memref_squeeze %dma_start3A_113 : memref<1x128x32xf32, #tpu.memory_space<vmem>> -> memref<128x32xf32, #tpu.memory_space<vmem>>
        %dma_start3A_115 = arith.constant 0 : i32
        %dma_start3A_116 = tpu.memref_slice %arg8[%add3A_76, %dma_start3A_115] : memref<80x128xi32, #tpu.memory_space<vmem>> -> memref<1x128xi32, #tpu.memory_space<vmem>>
        %dma_start3A_117 = tpu.memref_squeeze %dma_start3A_116 : memref<1x128xi32, #tpu.memory_space<vmem>> -> memref<128xi32, #tpu.memory_space<vmem>>
        %dma_start3A_118 = arith.constant 0 : i32
        %dma_start3A_119 = arith.constant 0 : i32
        %dma_start3A_120 = tpu.memref_slice %arg11[%dma_start3A_118, %dma_start3A_119] : memref<10112x32xf32, #tpu.memory_space<vmem_shared>> -> memref<10112x32xf32, #tpu.memory_space<vmem_shared>>
        tpu.enqueue_indirect_dma source(%dma_start3A_114 : memref<128x32xf32, #tpu.memory_space<vmem>>) target(%dma_start3A_120 : memref<10112x32xf32, #tpu.memory_space<vmem_shared>>) offsets(%dma_start3A_117 : memref<128xi32, #tpu.memory_space<vmem>>) semaphore(%run_scoped3A_110 : memref<!tpu.dma_semaphore, #tpu.memory_space<semaphore_mem>>) {add = true}
        %dma_wait3A_121 = arith.constant 0 : i32
        %dma_wait3A_122 = arith.constant 0 : i32
        %dma_wait3A_123 = tpu.memref_slice %arg9[%run_scoped3A_109, %dma_wait3A_121, %dma_wait3A_122] : memref<2x128x32xf32, #tpu.memory_space<vmem>> -> memref<1x128x32xf32, #tpu.memory_space<vmem>>
        %dma_wait3A_124 = tpu.memref_squeeze %dma_wait3A_123 : memref<1x128x32xf32, #tpu.memory_space<vmem>> -> memref<128x32xf32, #tpu.memory_space<vmem>>
        %dma_wait3A_125 = arith.constant 0 : i32
        %dma_wait3A_126 = tpu.memref_slice %arg8[%add3A_76, %dma_wait3A_125] : memref<80x128xi32, #tpu.memory_space<vmem>> -> memref<1x128xi32, #tpu.memory_space<vmem>>
        %dma_wait3A_127 = tpu.memref_squeeze %dma_wait3A_126 : memref<1x128xi32, #tpu.memory_space<vmem>> -> memref<128xi32, #tpu.memory_space<vmem>>
        %dma_wait3A_128 = arith.constant 0 : i32
        %dma_wait3A_129 = arith.constant 0 : i32
        %dma_wait3A_130 = tpu.memref_slice %arg11[%dma_wait3A_128, %dma_wait3A_129] : memref<10112x32xf32, #tpu.memory_space<vmem_shared>> -> memref<10112x32xf32, #tpu.memory_space<vmem_shared>>
        tpu.wait_indirect_dma semaphore(%run_scoped3A_110 : memref<!tpu.dma_semaphore, #tpu.memory_space<semaphore_mem>>) src(%dma_wait3A_124 : memref<128x32xf32, #tpu.memory_space<vmem>>) dst(%dma_wait3A_130 : memref<10112x32xf32, #tpu.memory_space<vmem_shared>>)
        tpu.yield
      }) : () -> ()
    }
    %scan3A_21 = arith.constant 40 : i32
    %dma_wait3A = arith.constant 0 : i32
    %dma_wait3A_22 = arith.constant 0 : i32
    %dma_wait3A_23 = arith.constant 0 : i32
    %dma_wait3A_24 = arith.constant 0 : i32
    %dma_wait3A_25 = arith.constant 0 : i32
    %dma_wait3A_26 = tpu.memref_slice %arg9[%dma_wait3A_22, %dma_wait3A_24, %dma_wait3A_25] : memref<2x128x32xf32, #tpu.memory_space<vmem>> -> memref<1x128x32xf32, #tpu.memory_space<vmem>>
    %dma_wait3A_27 = tpu.memref_squeeze %dma_wait3A_26 : memref<1x128x32xf32, #tpu.memory_space<vmem>> -> memref<128x32xf32, #tpu.memory_space<vmem>>
    %dma_wait3A_28 = arith.constant 0 : i32
    %dma_wait3A_29 = tpu.memref_slice %arg7[%dma_wait3A, %dma_wait3A_28] : memref<80x128xi32, #tpu.memory_space<vmem>> -> memref<1x128xi32, #tpu.memory_space<vmem>>
    %dma_wait3A_30 = tpu.memref_squeeze %dma_wait3A_29 : memref<1x128xi32, #tpu.memory_space<vmem>> -> memref<128xi32, #tpu.memory_space<vmem>>
    %dma_wait3A_31 = arith.constant 0 : i32
    %dma_wait3A_32 = arith.constant 0 : i32
    %dma_wait3A_33 = tpu.memref_slice %arg10[%dma_wait3A_31, %dma_wait3A_32] : memref<10112x32xf32, #tpu.memory_space<vmem_shared>> -> memref<10112x32xf32, #tpu.memory_space<vmem_shared>>
    %dma_wait3A_34 = tpu.memref_slice %arg12[%dma_wait3A_23] : memref<2x!tpu.dma_semaphore, #tpu.memory_space<semaphore_mem>> -> memref<1x!tpu.dma_semaphore, #tpu.memory_space<semaphore_mem>>
    %dma_wait3A_35 = tpu.memref_squeeze %dma_wait3A_34 : memref<1x!tpu.dma_semaphore, #tpu.memory_space<semaphore_mem>> -> memref<!tpu.dma_semaphore, #tpu.memory_space<semaphore_mem>>
    tpu.wait_indirect_dma semaphore(%dma_wait3A_35 : memref<!tpu.dma_semaphore, #tpu.memory_space<semaphore_mem>>) src(%dma_wait3A_33 : memref<10112x32xf32, #tpu.memory_space<vmem_shared>>) dst(%dma_wait3A_27 : memref<128x32xf32, #tpu.memory_space<vmem>>)
    %barrier3A_36 = arith.constant 0 : index
    tpu.barrier barrier_id(%barrier3A_36)
    "tpu.region"() ({
      %run_scoped3A = tpu.sem_alloc : memref<!tpu.dma_semaphore, #tpu.memory_space<semaphore_mem>>
      %dma_start3A_37 = arith.constant 0 : i32
      %dma_start3A_38 = tpu.memref_slice %arg6[%arg0, %mul3A_2, %dma_start3A_37] : memref<2x10112x32xf32, #tpu.memory_space<hbm>> -> memref<1x632x32xf32, #tpu.memory_space<hbm>>
      %dma_start3A_39 = tpu.memref_squeeze %dma_start3A_38 : memref<1x632x32xf32, #tpu.memory_space<hbm>> -> memref<632x32xf32, #tpu.memory_space<hbm>>
      %dma_start3A_40 = arith.constant 0 : i32
      %dma_start3A_41 = tpu.memref_slice %arg11[%mul3A_2, %dma_start3A_40] : memref<10112x32xf32, #tpu.memory_space<vmem_shared>> -> memref<632x32xf32, #tpu.memory_space<vmem_shared>>
      tpu.enqueue_dma source(%dma_start3A_41 : memref<632x32xf32, #tpu.memory_space<vmem_shared>>) target(%dma_start3A_39 : memref<632x32xf32, #tpu.memory_space<hbm>>) target_semaphore(%run_scoped3A : memref<!tpu.dma_semaphore, #tpu.memory_space<semaphore_mem>>)
      %dma_wait3A_42 = arith.constant 0 : i32
      %dma_wait3A_43 = tpu.memref_slice %arg6[%arg0, %mul3A_2, %dma_wait3A_42] : memref<2x10112x32xf32, #tpu.memory_space<hbm>> -> memref<1x632x32xf32, #tpu.memory_space<hbm>>
      %dma_wait3A_44 = tpu.memref_squeeze %dma_wait3A_43 : memref<1x632x32xf32, #tpu.memory_space<hbm>> -> memref<632x32xf32, #tpu.memory_space<hbm>>
      %dma_wait3A_45 = arith.constant 0 : i32
      %dma_wait3A_46 = tpu.memref_slice %arg11[%mul3A_2, %dma_wait3A_45] : memref<10112x32xf32, #tpu.memory_space<vmem_shared>> -> memref<632x32xf32, #tpu.memory_space<vmem_shared>>
      tpu.wait_dma2 semaphore(%run_scoped3A : memref<!tpu.dma_semaphore, #tpu.memory_space<semaphore_mem>>) src(%dma_wait3A_46 : memref<632x32xf32, #tpu.memory_space<vmem_shared>>) dst(%dma_wait3A_44 : memref<632x32xf32, #tpu.memory_space<hbm>>)
      tpu.yield
    }) : () -> ()
    return
  }
}

module attributes {stable_mosaic.version = 14 : i64} {
  func.func @body(%arg0: memref<2x2528x128xf32, #tpu.memory_space<vmem>>, %arg1: memref<2528x512xf32, #tpu.memory_space<vmem>>, %arg2: memref<512x128xf32, #tpu.memory_space<vmem>>, %arg3: memref<2528x128xf32, #tpu.memory_space<vmem>>, %arg4: memref<2528x128xf32, #tpu.memory_space<vmem>>, %arg5: memref<2528x128xf32, #tpu.memory_space<vmem>>) attributes {dimension_semantics = [], scalar_prefetch = 0 : i64, scratch_operands = 0 : i64, tpu.core_type = #tpu.core_type<tc>} {
    %get3A = arith.constant 0 : index
    %get3A_0 = arith.constant 0 : index
    %get3A_1 = arith.constant 0 : index
    %get3A_2 = vector.load %arg0[%get3A, %get3A_0, %get3A_1] : memref<2x2528x128xf32, #tpu.memory_space<vmem>>, vector<2x2528x128xf32>
    %slice3A = vector.extract_strided_slice %get3A_2 {offsets = [0, 0, 0], sizes = [1, 2528, 128], strides = [1, 1, 1]} : vector<2x2528x128xf32> to vector<1x2528x128xf32>
    %squeeze3A = vector.shape_cast %slice3A : vector<1x2528x128xf32> to vector<2528x128xf32>
    %slice3A_3 = vector.extract_strided_slice %get3A_2 {offsets = [1, 0, 0], sizes = [1, 2528, 128], strides = [1, 1, 1]} : vector<2x2528x128xf32> to vector<1x2528x128xf32>
    %squeeze3A_4 = vector.shape_cast %slice3A_3 : vector<1x2528x128xf32> to vector<2528x128xf32>
    %add3A = arith.addf %squeeze3A, %squeeze3A_4 : vector<2528x128xf32>
    %add3A_5 = arith.constant 1.000000e+00 : f32
    %add3A_6 = vector.broadcast %add3A_5 : f32 to vector<2528x128xf32>
    %add3A_7 = arith.addf %add3A, %add3A_6 : vector<2528x128xf32>
    %rsqrt3A = math.rsqrt %add3A_7 : vector<2528x128xf32>
    %get3A_8 = arith.constant 0 : index
    %get3A_9 = arith.constant 0 : index
    %get3A_10 = vector.load %arg1[%get3A_8, %get3A_9] : memref<2528x512xf32, #tpu.memory_space<vmem>>, vector<2528x512xf32>
    %get3A_11 = arith.constant 0 : index
    %get3A_12 = arith.constant 0 : index
    %get3A_13 = vector.load %arg2[%get3A_11, %get3A_12] : memref<512x128xf32, #tpu.memory_space<vmem>>, vector<512x128xf32>
    %dot_general3A = arith.constant dense<0.000000e+00> : vector<2528x128xf32>
    %dot_general3A_14 = tpu.matmul %get3A_10, %get3A_13, %dot_general3A {dimension_numbers = #tpu.dot_dimension_numbers<[1], [0], [0], [1], [0, 0, 1, 1], [], []>, transpose_lhs_hint = false} : vector<2528x512xf32>, vector<512x128xf32>, vector<2528x128xf32> -> vector<2528x128xf32>
    %swap3A = arith.constant 0 : index
    %swap3A_15 = arith.constant 0 : index
    %swap3A_16 = vector.load %arg3[%swap3A, %swap3A_15] : memref<2528x128xf32, #tpu.memory_space<vmem>>, vector<2528x128xf32>
    tpu.vector_store %arg3[%swap3A, %swap3A_15], %rsqrt3A {strides = array<i32>} : memref<2528x128xf32, #tpu.memory_space<vmem>>, vector<2528x128xf32>,
    %swap3A_17 = arith.constant 0 : index
    %swap3A_18 = arith.constant 0 : index
    %swap3A_19 = vector.load %arg4[%swap3A_17, %swap3A_18] : memref<2528x128xf32, #tpu.memory_space<vmem>>, vector<2528x128xf32>
    tpu.vector_store %arg4[%swap3A_17, %swap3A_18], %dot_general3A_14 {strides = array<i32>} : memref<2528x128xf32, #tpu.memory_space<vmem>>, vector<2528x128xf32>,
    %mul3A = arith.mulf %dot_general3A_14, %rsqrt3A : vector<2528x128xf32>
    %swap3A_20 = arith.constant 0 : index
    %swap3A_21 = arith.constant 0 : index
    %swap3A_22 = vector.load %arg5[%swap3A_20, %swap3A_21] : memref<2528x128xf32, #tpu.memory_space<vmem>>, vector<2528x128xf32>
    tpu.vector_store %arg5[%swap3A_20, %swap3A_21], %mul3A {strides = array<i32>} : memref<2528x128xf32, #tpu.memory_space<vmem>>, vector<2528x128xf32>,
    return
  }
}

module attributes {stable_mosaic.version = 14 : i64} {
  func.func @body(%arg0: memref<2x2528x128xf32, #tpu.memory_space<vmem>>, %arg1: memref<2528x128xf32, #tpu.memory_space<vmem>>, %arg2: memref<2528x128xf32, #tpu.memory_space<vmem>>, %arg3: memref<1x128xf32, #tpu.memory_space<vmem>>, %arg4: memref<128x128xf32, #tpu.memory_space<vmem>>, %arg5: memref<2528x128xf32, #tpu.memory_space<vmem>>, %arg6: memref<2528x128xf32, #tpu.memory_space<vmem>>) attributes {dimension_semantics = [], scalar_prefetch = 0 : i64, scratch_operands = 0 : i64, tpu.core_type = #tpu.core_type<tc>} {
    %get3A = arith.constant 0 : index
    %get3A_0 = arith.constant 0 : index
    %get3A_1 = arith.constant 0 : index
    %get3A_2 = vector.load %arg0[%get3A, %get3A_0, %get3A_1] : memref<2x2528x128xf32, #tpu.memory_space<vmem>>, vector<2x2528x128xf32>
    %get3A_3 = arith.constant 0 : index
    %get3A_4 = arith.constant 0 : index
    %get3A_5 = vector.load %arg2[%get3A_3, %get3A_4] : memref<2528x128xf32, #tpu.memory_space<vmem>>, vector<2528x128xf32>
    %slice3A = vector.extract_strided_slice %get3A_2 {offsets = [0, 0, 0], sizes = [1, 2528, 128], strides = [1, 1, 1]} : vector<2x2528x128xf32> to vector<1x2528x128xf32>
    %squeeze3A = vector.shape_cast %slice3A : vector<1x2528x128xf32> to vector<2528x128xf32>
    %slice3A_6 = vector.extract_strided_slice %get3A_2 {offsets = [1, 0, 0], sizes = [1, 2528, 128], strides = [1, 1, 1]} : vector<2x2528x128xf32> to vector<1x2528x128xf32>
    %squeeze3A_7 = vector.shape_cast %slice3A_6 : vector<1x2528x128xf32> to vector<2528x128xf32>
    %add3A = arith.addf %squeeze3A, %squeeze3A_7 : vector<2528x128xf32>
    %mul3A = arith.mulf %get3A_5, %add3A : vector<2528x128xf32>
    %mul3A_8 = arith.mulf %get3A_5, %get3A_5 : vector<2528x128xf32>
    %get3A_9 = arith.constant 0 : index
    %get3A_10 = arith.constant 0 : index
    %get3A_11 = vector.load %arg1[%get3A_9, %get3A_10] : memref<2528x128xf32, #tpu.memory_space<vmem>>, vector<2528x128xf32>
    %mul3A_12 = arith.mulf %mul3A_8, %get3A_11 : vector<2528x128xf32>
    %add3A_13 = arith.addf %mul3A, %mul3A_12 : vector<2528x128xf32>
    %get3A_14 = arith.constant 0 : index
    %get3A_15 = arith.constant 0 : index
    %get3A_16 = vector.load %arg3[%get3A_14, %get3A_15] : memref<1x128xf32, #tpu.memory_space<vmem>>, vector<1x128xf32>
    %add3A_17 = vector.broadcast %get3A_16 : vector<1x128xf32> to vector<2528x128xf32>
    %add3A_18 = arith.addf %add3A_13, %add3A_17 : vector<2528x128xf32>
    %max3A = arith.constant 0.000000e+00 : f32
    %max3A_19 = vector.broadcast %max3A : f32 to vector<2528x128xf32>
    %max3A_20 = arith.maximumf %add3A_18, %max3A_19 : vector<2528x128xf32>
    %get3A_21 = arith.constant 0 : index
    %get3A_22 = arith.constant 0 : index
    %get3A_23 = vector.load %arg4[%get3A_21, %get3A_22] : memref<128x128xf32, #tpu.memory_space<vmem>>, vector<128x128xf32>
    %dot_general3A = arith.constant dense<0.000000e+00> : vector<2528x128xf32>
    %dot_general3A_24 = tpu.matmul %max3A_20, %get3A_23, %dot_general3A {dimension_numbers = #tpu.dot_dimension_numbers<[1], [0], [0], [1], [0, 0, 1, 1], [], []>, transpose_lhs_hint = false} : vector<2528x128xf32>, vector<128x128xf32>, vector<2528x128xf32> -> vector<2528x128xf32>
    %swap3A = arith.constant 0 : index
    %swap3A_25 = arith.constant 0 : index
    %swap3A_26 = vector.load %arg5[%swap3A, %swap3A_25] : memref<2528x128xf32, #tpu.memory_space<vmem>>, vector<2528x128xf32>
    tpu.vector_store %arg5[%swap3A, %swap3A_25], %dot_general3A_24 {strides = array<i32>} : memref<2528x128xf32, #tpu.memory_space<vmem>>, vector<2528x128xf32>,
    %mul3A_27 = arith.mulf %dot_general3A_24, %get3A_5 : vector<2528x128xf32>
    %swap3A_28 = arith.constant 0 : index
    %swap3A_29 = arith.constant 0 : index
    %swap3A_30 = vector.load %arg6[%swap3A_28, %swap3A_29] : memref<2528x128xf32, #tpu.memory_space<vmem>>, vector<2528x128xf32>
    tpu.vector_store %arg6[%swap3A_28, %swap3A_29], %mul3A_27 {strides = array<i32>} : memref<2528x128xf32, #tpu.memory_space<vmem>>, vector<2528x128xf32>,
    return
  }
}

module attributes {stable_mosaic.version = 14 : i64} {
  func.func @body(%arg0: memref<2x2528x128xf32, #tpu.memory_space<vmem>>, %arg1: memref<2528x128xf32, #tpu.memory_space<vmem>>, %arg2: memref<2528x128xf32, #tpu.memory_space<vmem>>, %arg3: memref<1x128xf32, #tpu.memory_space<vmem>>, %arg4: memref<128x32xf32, #tpu.memory_space<vmem>>, %arg5: memref<1x32xf32, #tpu.memory_space<vmem>>, %arg6: memref<32x4xf32, #tpu.memory_space<vmem>>, %arg7: memref<1x4xf32, #tpu.memory_space<vmem>>, %arg8: memref<2528x4xf32, #tpu.memory_space<vmem>>) attributes {dimension_semantics = [], scalar_prefetch = 0 : i64, scratch_operands = 0 : i64, tpu.core_type = #tpu.core_type<tc>} {
    %get3A = arith.constant 0 : index
    %get3A_0 = arith.constant 0 : index
    %get3A_1 = arith.constant 0 : index
    %get3A_2 = vector.load %arg0[%get3A, %get3A_0, %get3A_1] : memref<2x2528x128xf32, #tpu.memory_space<vmem>>, vector<2x2528x128xf32>
    %get3A_3 = arith.constant 0 : index
    %get3A_4 = arith.constant 0 : index
    %get3A_5 = vector.load %arg2[%get3A_3, %get3A_4] : memref<2528x128xf32, #tpu.memory_space<vmem>>, vector<2528x128xf32>
    %slice3A = vector.extract_strided_slice %get3A_2 {offsets = [0, 0, 0], sizes = [1, 2528, 128], strides = [1, 1, 1]} : vector<2x2528x128xf32> to vector<1x2528x128xf32>
    %squeeze3A = vector.shape_cast %slice3A : vector<1x2528x128xf32> to vector<2528x128xf32>
    %slice3A_6 = vector.extract_strided_slice %get3A_2 {offsets = [1, 0, 0], sizes = [1, 2528, 128], strides = [1, 1, 1]} : vector<2x2528x128xf32> to vector<1x2528x128xf32>
    %squeeze3A_7 = vector.shape_cast %slice3A_6 : vector<1x2528x128xf32> to vector<2528x128xf32>
    %add3A = arith.addf %squeeze3A, %squeeze3A_7 : vector<2528x128xf32>
    %mul3A = arith.mulf %get3A_5, %add3A : vector<2528x128xf32>
    %mul3A_8 = arith.mulf %get3A_5, %get3A_5 : vector<2528x128xf32>
    %get3A_9 = arith.constant 0 : index
    %get3A_10 = arith.constant 0 : index
    %get3A_11 = vector.load %arg1[%get3A_9, %get3A_10] : memref<2528x128xf32, #tpu.memory_space<vmem>>, vector<2528x128xf32>
    %mul3A_12 = arith.mulf %mul3A_8, %get3A_11 : vector<2528x128xf32>
    %add3A_13 = arith.addf %mul3A, %mul3A_12 : vector<2528x128xf32>
    %get3A_14 = arith.constant 0 : index
    %get3A_15 = arith.constant 0 : index
    %get3A_16 = vector.load %arg3[%get3A_14, %get3A_15] : memref<1x128xf32, #tpu.memory_space<vmem>>, vector<1x128xf32>
    %add3A_17 = vector.broadcast %get3A_16 : vector<1x128xf32> to vector<2528x128xf32>
    %add3A_18 = arith.addf %add3A_13, %add3A_17 : vector<2528x128xf32>
    %get3A_19 = arith.constant 0 : index
    %get3A_20 = arith.constant 0 : index
    %get3A_21 = vector.load %arg4[%get3A_19, %get3A_20] : memref<128x32xf32, #tpu.memory_space<vmem>>, vector<128x32xf32>
    %dot_general3A = arith.constant dense<0.000000e+00> : vector<2528x32xf32>
    %dot_general3A_22 = tpu.matmul %add3A_18, %get3A_21, %dot_general3A {dimension_numbers = #tpu.dot_dimension_numbers<[1], [0], [0], [1], [0, 0, 1, 1], [], []>, transpose_lhs_hint = false} : vector<2528x128xf32>, vector<128x32xf32>, vector<2528x32xf32> -> vector<2528x32xf32>
    %get3A_23 = arith.constant 0 : index
    %get3A_24 = arith.constant 0 : index
    %get3A_25 = vector.load %arg5[%get3A_23, %get3A_24] : memref<1x32xf32, #tpu.memory_space<vmem>>, vector<1x32xf32>
    %add3A_26 = vector.broadcast %get3A_25 : vector<1x32xf32> to vector<2528x32xf32>
    %add3A_27 = arith.addf %dot_general3A_22, %add3A_26 : vector<2528x32xf32>
    %max3A = arith.constant 0.000000e+00 : f32
    %max3A_28 = vector.broadcast %max3A : f32 to vector<2528x32xf32>
    %max3A_29 = arith.maximumf %add3A_27, %max3A_28 : vector<2528x32xf32>
    %get3A_30 = arith.constant 0 : index
    %get3A_31 = arith.constant 0 : index
    %get3A_32 = vector.load %arg6[%get3A_30, %get3A_31] : memref<32x4xf32, #tpu.memory_space<vmem>>, vector<32x4xf32>
    %dot_general3A_33 = arith.constant dense<0.000000e+00> : vector<2528x4xf32>
    %dot_general3A_34 = tpu.matmul %max3A_29, %get3A_32, %dot_general3A_33 {dimension_numbers = #tpu.dot_dimension_numbers<[1], [0], [0], [1], [0, 0, 1, 1], [], []>, transpose_lhs_hint = false} : vector<2528x32xf32>, vector<32x4xf32>, vector<2528x4xf32> -> vector<2528x4xf32>
    %get3A_35 = arith.constant 0 : index
    %get3A_36 = arith.constant 0 : index
    %get3A_37 = vector.load %arg7[%get3A_35, %get3A_36] : memref<1x4xf32, #tpu.memory_space<vmem>>, vector<1x4xf32>
    %add3A_38 = vector.broadcast %get3A_37 : vector<1x4xf32> to vector<2528x4xf32>
    %add3A_39 = arith.addf %dot_general3A_34, %add3A_38 : vector<2528x4xf32>
    %swap3A = arith.constant 0 : index
    %swap3A_40 = arith.constant 0 : index
    %swap3A_41 = vector.load %arg8[%swap3A, %swap3A_40] : memref<2528x4xf32, #tpu.memory_space<vmem>>, vector<2528x4xf32>
    tpu.vector_store %arg8[%swap3A, %swap3A_40], %add3A_39 {strides = array<i32>} : memref<2528x4xf32, #tpu.memory_space<vmem>>, vector<2528x4xf32>,
    return
  }
}

</mosaic_0001>

<sc_bundles>
// kernel: kernel.10.cloned.1.call-start
scs
__scs_entry_jumppad:
0x0: {  	(pc) =	sbr.rel $0x88, $3  }
0x1: {  	(tag) =	ssettag $0x0;
	lr =	simm.s32 $0x1  }
0x2: {  	[smem:$0x3F95] =	sst lr;
	_ =	strace $0xD0000000  }
0x3: {  	_ = 	snop  }
0x4: {  	_ = 	snop  }
0x5: {  	_ = 	snop  }
0x6: {  	_ = 	snop  }
0x7: {  	_ = 	snop  }
__scs_overlays_trampoline_lowered:
0x8: {  	[smem:$0x3FA4] =	sst s0  }
0x9: {  	[smem:$0x3FA5] =	sst s1  }
0xa: {  	[smem:$0x3FA6] =	sst s2  }
0xb: {  	[smem:$0x3FA7] =	sst s3  }
0xc: {  	[smem:$0x3FA8] =	sst s4  }
0xd: {  	[smem:$0x3FA9] =	sst s5  }
0xe: {  	[smem:$0x3FAA] =	sst s6  }
0xf: {  	[smem:$0x3FAB] =	sst s7  }
0x10: {  	[smem:$0x3FAC] =	sst s8  }
0x11: {  	[smem:$0x3FAD] =	sst s9;
	s0 =	simm.s32 @!p0 $0x0  }
0x12: {  	s1 =	sld [smem:$0x3F93];
	s0 =	simm.s32 @p0 $0x1  }
0x13: {  	[smem:$0x3FAE] =	sst s0;
	s0 =	simm.s32 @!p1 $0x0  }
0x14: {  	s2 =	sld [smem:$0x3F92];
	s0 =	simm.s32 @p1 $0x1  }
0x15: {  	[smem:$0x3FAF] =	sst s0;
	s0 =	simm.s32 @!p2 $0x0  }
0x16: {  	s3 =	sld [smem:$0x3FDB];
	s0 =	simm.s32 @p2 $0x1  }
0x17: {  	s4 =	simm.s32 $0x1BF5;
	[smem:$0x3FB1] =	sst s0  }
0x18: {  	s0 =	sld [smem:$0x3F94];
	_ =	swait.ge [sflag:s4], $0x0  }
0x19: {  	s7 =	sld [smem:$0x3F95]  }
0x1a: {  	s8 =	sadd.s32 $0xFFFFE003, lr  }
0x1b: {  	s9 =	sadd.s32 $0xFFFFFEF7, lr;
	s5 =	simm.s32 $0xFFFFFFFF;
	p2 =	slt.u32 s8, $0xFFFFF086  }
0x1c: {  	p1 =	slt.u32 s9, $0xF7A;
	s5 =	simm.s32 @!p2 $0x0  }
0x1d: {  	s5 =	simm.s32 @p1 $0x1;
	p0 =	seq.s32 s7, s2  }
0x1e: {  	s7 =	smul.u32 @!p0 $0xF7A, s2;
	p2 =	seq.s32 @!p0 s5, $0x0  }
0x1f: {  	s9 =	smul.u32 $0xF7A, s1;
	s8 =	simm.s32 @!p0 $0x1BF5;
	p2 =	por !p2, p0  }
0x20: {  	[sflag:s8] =	ssyncset.s32 @!p0 $0xFFFFF086;
	s6 =	sadd.s32 @!p0 s3, s7;
	s7 =	simm.s32 @!p0 $0x108  }
0x21: {  	s3 =	sadd.s32 s3, s9;
	s6 =	sadd.s32 @!p0 $0x88, s6;
	s7 =	simm.s32 @p2 $0x1082  }
0x22: {  	[simem:s7], [sflag:s8] =	dma.local @!p0 [hbm:s6], $0xF7A  }
0x23: {  	s9 =	sor.u32 $0xD0000000, s2;
	s6 =	simm.s32 $0x108;
	_ =	swait.ge @!p0 [sflag:s8], $0x0  }
0x24: {  	s3 =	sadd.s32 $0x88, s3;
	s6 =	simm.s32 @!p1 $0x1082;
	[sflag:s4] =	ssyncset.s32 $0xFFFFF086  }
0x25: {  	[simem:s6], [sflag:s4] =	dma.local [hbm:s3], $0xF7A  }
0x26: {  	[smem:$0x3F95] =	sst s1;
	(tag) =	ssettag s2;
	_ =	strace s9  }
0x27: {  	s1 =	sld [smem:$0x3FA5]  }
0x28: {  	s2 =	sld [smem:$0x3FA6]  }
0x29: {  	s4 =	sld [smem:$0x3FA8]  }
0x2a: {  	p0 =	seq.s32 s5, $0x0;
	s5 =	sld [smem:$0x3FA9]  }
0x2b: {  	s6 =	sld [smem:$0x3FAA]  }
0x2c: {  	s7 =	sld [smem:$0x3FAB]  }
0x2d: {  	s3 =	simm.s32 $0x108;
	s8 =	sld [smem:$0x3FAC]  }
0x2e: {  	s3 =	simm.s32 @!p0 $0x1082;
	s9 =	sld [smem:$0x3FAD]  }
0x2f: {  	lr =	sadd.s32 s0, s3;
	s0 =	sld [smem:$0x3FA4]  }
0x30: {  	s3 =	sld [smem:$0x3FA7]  }
0x31: {  	[smem:$0x3FB0] =	sst s10  }
0x32: {  	s10 =	sld [smem:$0x3FAE];
	_ =	sdelay $0x3  }
0x33: {  	p0 =	seq.s32 s10, $0x1;
	s10 =	sld [smem:$0x3FB0];
	_ =	sdelay $0x3  }
0x34: {  	[smem:$0x3FB0] =	sst s10  }
0x35: {  	s10 =	sld [smem:$0x3FAF];
	_ =	sdelay $0x3  }
0x36: {  	p1 =	seq.s32 s10, $0x1;
	s10 =	sld [smem:$0x3FB0];
	_ =	sdelay $0x3  }
0x37: {  	[smem:$0x3FB0] =	sst s10  }
0x38: {  	s10 =	sld [smem:$0x3FB1]  }
0x39: {  	_ = 	snop;
	(pc) =	sbr.ind lr, $3  }
0x3a: {  	_ = 	snop  }
0x3b: {  	_ = 	snop  }
0x3c: {  	p2 =	seq.s32 s10, $0x1;
	s10 =	sld [smem:$0x3FB0]  }
0x3d: {  	_ =	shalt  }
0x3e: {  	_ =	shalt  }
0x3f: {  	_ =	shalt  }
0x40: {  	_ =	shalt  }
0x41: {  	_ =	shalt  }
0x42: {  	_ =	shalt  }
0x43: {  	_ =	shalt  }
0x44: {  	_ =	shalt  }
0x45: {  	_ =	shalt  }
0x46: {  	_ =	shalt  }
0x47: {  	_ =	shalt  }
0x48: {  	_ =	shalt  }
0x49: {  	_ =	shalt  }
0x4a: {  	_ =	shalt  }
0x4b: {  	_ =	shalt  }
0x4c: {  	_ =	shalt  }
0x4d: {  	_ =	shalt  }
0x4e: {  	_ =	shalt  }
0x4f: {  	_ =	shalt  }
0x50: {  	_ =	shalt  }
0x51: {  	_ =	shalt  }
0x52: {  	_ =	shalt  }
0x53: {  	_ =	shalt  }
0x54: {  	_ =	shalt  }
0x55: {  	_ =	shalt  }
0x56: {  	_ =	shalt  }
0x57: {  	_ =	shalt  }
0x58: {  	_ =	shalt  }
0x59: {  	_ =	shalt  }
0x5a: {  	_ =	shalt  }
0x5b: {  	_ =	shalt  }
0x5c: {  	_ =	shalt  }
0x5d: {  	_ =	shalt  }
0x5e: {  	_ =	shalt  }
0x5f: {  	_ =	shalt  }
0x60: {  	_ =	shalt  }
0x61: {  	_ =	shalt  }
0x62: {  	_ =	shalt  }
0x63: {  	_ =	shalt  }
0x64: {  	_ =	shalt  }
0x65: {  	_ =	shalt  }
0x66: {  	_ =	shalt  }
0x67: {  	_ =	shalt  }
0x68: {  	_ =	shalt  }
0x69: {  	_ =	shalt  }
0x6a: {  	_ =	shalt  }
0x6b: {  	_ =	shalt  }
0x6c: {  	_ =	shalt  }
0x6d: {  	_ =	shalt  }
0x6e: {  	_ =	shalt  }
0x6f: {  	_ =	shalt  }
0x70: {  	_ =	shalt  }
0x71: {  	_ =	shalt  }
0x72: {  	_ =	shalt  }
0x73: {  	_ =	shalt  }
0x74: {  	_ =	shalt  }
0x75: {  	_ =	shalt  }
0x76: {  	_ =	shalt  }
0x77: {  	_ =	shalt  }
0x78: {  	_ =	shalt  }
0x79: {  	_ =	shalt  }
0x7a: {  	_ =	shalt  }
0x7b: {  	_ =	shalt  }
0x7c: {  	_ =	shalt  }
0x7d: {  	_ =	shalt  }
0x7e: {  	_ =	shalt  }
0x7f: {  	_ =	shalt  }
0x80: {  	_ =	shalt  }
0x81: {  	_ =	shalt  }
0x82: {  	_ =	shalt  }
0x83: {  	_ =	shalt  }
0x84: {  	_ =	shalt  }
0x85: {  	_ =	shalt  }
0x86: {  	_ =	shalt  }
0x87: {  	_ =	shalt  }
.Lfunc_end0:
.L_simem_size_0:
called_computation_lowered:
.L_overlay_start_0:
0x88: {  	s2 =	sld [smem:$0x3FD9]  }
0x89: {  	s3 =	sld [smem:$0x3FFE];
	_ =	sdelay $0x1  }
0x8a: {  	s1 =	srdreg.scid  }
0x8b: {  	s0 =	sand.u32 $0x1, s1  }
0x8c: {  	s17 =	sshll.u32 s0, $0xA;
	s2 =	sadd.s32 s3, s2  }
0x8d: {  	s2 =	sadd.s32 s2, s17  }
0x8e: {  	[smem:$0x3FBC] =	sst s2  }
0x8f: {  	_ = 	snop  }
0x90: {  	s2 =	sld [smem:$0x3FD0];
	(tm) =	ssettm $0x1  }
0x91: {  	s18 =	sld [smem:$0x3FFB];
	_ =	sdelay $0x3  }
0x92: {  	_ =	strace s18  }
0x93: {  	s3 =	sld [smem:$0x3FFC];
	_ =	sdelay $0x3  }
0x94: {  	_ =	strace s3  }
0x95: {  	s3 =	sld [smem:$0x3FFD];
	_ =	sdelay $0x3  }
0x96: {  	_ =	strace s3  }
0x97: {  	_ =	strace $0x8FFFFFFF  }
0x98: {  	s19 =	sld [smem:$0x3FDB];
	_ =	sdelay $0x1  }
0x99: {  	s4 =	simm.s32 $_scs_section_size  }
0x9a: {  	s5 =	simm.s32 $_size__tile_overlayer_lowered;
	s6 =	simm.s32 $_tile_overlayer_lowered  }
0x9b: {  	s22 =	simm.s32 $0x1BFF;
	s21 =	sshll.u32 s6, $0x1;
	s3 =	sadd.s32 s4, s19  }
0x9c: {  	s7 =	simm.s32 $0x0;
	s20 =	sshll.u32 s5, $0x1;
	s5 =	sadd.s32 s21, s3  }
0x9d: {  	[timem:s7], [sflag:s22] =	dma.local [hbm:s5], s20  }
0x9e: {  	_ =	swait.ge [sflag:s22], s20  }
0x9f: {  	s4 =	ssub.s32 $0x0, s20;
	[sflag:s22] =	ssyncset.done $0x0  }
0xa0: {  	[sflag:s22] =	ssyncadd.s32 s4;
	_ =	sdelay $0x1  }
0xa1: {  	s23 =	simm.s32 $0x1B8B  }
0xa2: {  	_ =	swait.ge [sflag:s23], $0x1  }
0xa3: {  	[sflag:s23] =	ssyncset.done $0x0  }
0xa4: {  	s25 =	simm.s32 $0x1B8E;
	s24 =	sld [smem:$0x3FFE];
	[sflag:s23] =	ssyncadd.s32 $0xFFFFFFFF  }
0xa5: {  	s26 =	simm.s32 $execute0_lowered;
	[smem:$0x3FD2] =	sst s25  }
0xa6: {  	s5 =	sshll.u32 s26, $0x1;
	_ =	strace $0x80000046;
	[dreg:$0x1] =	wrdreg $0xFFFFFFFF  }
0xa7: {  	s28 =	simm.s32 $_size_execute0_lowered;
	s3 =	sadd.s32 s3, s5;
	[dreg:$0x0] =	wrdreg $0x0  }
0xa8: {  	s5 =	sshll.u32 s28, $0x1;
	[dreg:$0x2] =	wrdreg s3  }
0xa9: {  	[dreg:$0x3] =	wrdreg s5  }
0xaa: {  	[dreg:$0x4] =	wrdreg $0xC0  }
0xab: {  	_ =	task [dreg:s7], $0x5FFFF  }
0xac: {  	[dreg:$0x1] =	wrdreg $0xFFFFFFFF  }
0xad: {  	[dreg:$0x0] =	wrdreg $0x60  }
0xae: {  	[dreg:$0x2] =	wrdreg s24  }
0xaf: {  	[dreg:$0x3] =	wrdreg s2  }
0xb0: {  	[dreg:$0x4] =	wrdreg $0x38000  }
0xb1: {  	[dreg:$0x5] =	wrdreg $0x9  }
0xb2: {  	_ =	task.clear_ibuf [dreg:s7], $0x6FFFF;
	_ =	strace $0x90000046  }
0xb3: {  	s29 =	simm.s32 $0x9;
	_ =	strace $0x80000048  }
0xb4: {  	_ =	swait.ge [sflag:s29], $0x1  }
0xb5: {  	[sflag:s29] =	ssyncadd.s32 $0xFFFFFFFF  }
0xb6: {  	_ =	strace $0x90000048  }
0xb7: {  	_ =	sfence  }
0xb8: {  	s30 =	sld [smem:$0x0];
	_ =	sdelay $0x2  }
0xb9: {  	s31 =	sshll.u32 s1, $0xD;
	s1 =	sshrl.u32 s1, $0x2  }
0xba: {  	s3 =	sand.u32 $0x4000, s31;
	s1 =	sadd.s32 s1, s30  }
0xbb: {  	s0 =	sor.u32 s3, s0;
	s1 =	sshll.u32 s1, $0x11  }
0xbc: {  	s0 =	sor.u32 s1, s0  }
0xbd: {  	s0 =	sadd.s32 $0x8F2B, s0  }
0xbe: {  	[sflag:s0] =	ssyncadd.remote.s32 $0x1  }
0xbf: {  	_ =	sfence.sel $0xFFFF  }
0xc0: {  	[dreg:$0x0] =	wrdreg $0xFFFFFFFF;
	(pc) =	sbr.abs _section_cstart, $3  }
0xc1: {  	[dreg:$0x1] =	wrdreg $0xFFFFFFFF  }
0xc2: {  	_ =	task.clear_ibuf [dreg:s7], $0x2FFFF;
	_ =	strace $0x9FFFFFFF  }
0xc3: {  	(tm) =	ssettm $0x7FFFFFFF  }
tec
execute0_lowered:
.L_overlay_start_1:
0x0: {  	(tag) =	ssettag $0x1  }
0x1: {  	s6 =	rddreg [dreg:$0x0]  }
0x2: {  	s2 =	rddreg [dreg:$0x1]  }
0x3: {  	s0 =	srdreg.scid;
	s3 =	rddreg [dreg:$0x2]  }
0x4: {  	s4 =	simm.s32 $0x0;
	s13 =	simm.s32 $0x80;
	s14 =	simm.s32 $0x1  }
0x5: {  	s15 =	simm.s32 $0x0;
	s5 =	sand.u32 $0x1, s0;
	s0 =	stileid.u32  }
0x6: {  	[smem:$0x7FF] =	sst s4;
	s1 =	sshll.u32 s5, $0x4;
	s8 =	smul.u32 $0x4F00, s0  }
0x7: {  	s9 =	smul.u32 $0x4F000, s5;
	s5 =	ssub.s32 $0x2, s5;
	s1 =	sor.u32 s0, s1  }
0x8: {  	s31 =	sshll.u32 s0, $0x6;
	s11 =	sshrl.u32 s5, $0x1;
	s7 =	smul.u32 $0x500, s1  }
0x9: {  	s1 =	rddreg [dreg:$0x3];
	_ =	strace $0x80000047;
	s10 =	sshrl.u32 s8, $0x3  }
0xa: {  	s9 =	sadd.s32 s8, s9;
	s11 =	ssub.s32 s5, s11;
	s12 =	sadd.s32 s8, s3  }
0xb: {  	s10 =	sadd.s32 s10, s6;
	s9 =	sshrl.u32 s9, $0x3;
	s8 =	smax.u32 s11, $0x1  }
0xc: {  	s11 =	sor.u32 $0x1C02, s31;
	s12 =	sshrl.u32 s12, $0x3;
	s7 =	sadd.s32 s7, s6  }
0xd: {  	s9 =	sadd.s32 s9, s6;
	s6 =	sadd.s32 $0x18200, s10;
	s10 =	simm.s32 $0x2800  }
0xe: {  	s5 =	sadd.s32 $0x4200, s7;
	s7 =	sadd.s32 $0x22000, s9;
	s9 =	simm.s32 $0x2  }
.LBB2_1:
0xf: {  	[tilespmem:s4], [sflag:$0x2] =	stream.linear.gather [hbm4b:s5+s4], $0x2800, $0x38;
	[tilespmem:$0x8700] =	vst v63  }
0x10: {  	_ =	swait.ge [sflag:s9], $0x2800  }
0x11: {  	[sflag:s9] =	ssyncset.done $0x0  }
0x12: {  	[sflag:s9] =	ssyncadd.s32 $0xFFFFD800  }
0x13: {  	[tilespmem:s10], [sflag:$0x2] =	stream.linear.gather [hbm4b:s2+s4], $0x1000, $0x38;
	[tilespmem:$0x8700] =	vst v63  }
0x14: {  	_ =	swait.ge [sflag:s9], $0x1000  }
0x15: {  	[sflag:s9] =	ssyncset.done $0x0  }
0x16: {  	[sflag:s9] =	ssyncadd.s32 $0xFFFFF000  }
0x17: {  	[spmem:s12], [sflag:s11] =	dma.local [hbm:s6], $0x9E0  }
0x18: {  	_ =	swait.ge [sflag:s9], $0x9E0  }
0x19: {  	[sflag:s9] =	ssyncset.done $0x0  }
0x1a: {  	[sflag:s9] =	ssyncadd.s32 $0xFFFFF620  }
0x1b: {  	s16 =	simm.s32 $0x0;
	[bflag:$0x0] =	sbarrier.arrive $0xFFFF  }
.LBB2_2:
0x1c: {  	p0 =	sne.s32 s16, $0x9E00  }
.Ltmp0:
0x1d: {  	_ = 	snop;
	(pc) =	sbr.rel @p0 .LBB2_2-.Ltmp0, $3  }
0x1e: {  	_ =	sdelay $0x1  }
0x1f: {  	s17 =	sshra.s32 s16, $0x2;
	s16 =	sadd.s32 $0x200, s16  }
0x20: {  	[spmem:s3] =	stream.indirect.scatter.add.f32 [tilespmem:s10], [sflag:$0x1], $0x20, s17, s13, $0xb8;
	[tilespmem:$0x8700] =	vst v63  }
0x21: {  	_ =	swait.ge [sflag:s14], $0x1000  }
0x22: {  	s16 =	simm.s32 $0x4F;
	[sflag:s14] =	ssyncset.done $0x0  }
.LBB2_4:
0x23: {  	p0 =	sne.s32 s16, $0x1;
	s16 =	sadd.s32 $0xFFFFFFFF, s16;
	[sflag:s14] =	ssyncadd.s32 $0xFFFFF000  }
.Ltmp1:
0x24: {  	(pc) =	sbr.rel @p0 .LBB2_4-.Ltmp1, $3  }
0x25: {  	_ =	sdelay $0x1  }
0x26: {  	_ =	swait.ge [sflag:s14], $0x1000  }
0x27: {  	[sflag:s14] =	ssyncset.done $0x0  }
0x28: {  	s15 =	sadd.s32 $0x1, s15  }
0x29: {  	[sflag:s14] =	ssyncadd.s32 $0xFFFFF000;
	p0 =	sne.s32 s15, s8  }
.Ltmp2:
0x2a: {  	[bflag:$0x0] =	sbarrier.arrive $0xFFFF;
	(pc) =	sbr.rel @p0 .LBB2_1-.Ltmp2, $4  }
0x2b: {  	[hbm:s7], [sflag:s11] =	dma.local [spmem:s12], $0x9E0  }
0x2c: {  	_ =	swait.ge [sflag:s9], $0x9E0  }
0x2d: {  	[sflag:s9] =	ssyncset.done $0x0  }
0x2e: {  	[sflag:s9] =	ssyncadd.s32 $0xFFFFF620  }
0x2f: {  	_ =	sfence.sel $0x180000  }
0x30: {  	[bflag:$0x0] =	sbarrier.arrive $0xFFFF  }
0x31: {  	p0 =	sne.s32 s0, $0x0;
	_ =	strace $0x90000047  }
0x32: {  	s0 =	sadd.s32 @!p0 $0x100000, s1;
	[bflag:$0x2] =	sbarrier.arrive $0xFFFF  }
0x33: {  	[sflag:s0] =	ssyncadd.tile.s32 @!p0 $0x1;
	_ =	shalt  }
.Lfunc_end2:
_tile_overlayer_lowered:
.L_overlay_start_2:
0x34: {  	(tag) =	ssettag $0x2  }
0x35: {  	s0 =	rddreg [dreg:$0x0];
	s2 =	stileid.u32  }
0x36: {  	s1 =	rddreg [dreg:$0x1];
	p0 =	sne.s32 s2, $0x0  }
0x37: {  	s3 =	rddreg [dreg:$0x2];
	[bflag:$0x3] =	sbarrier.arrive $0xFFFF;
	s2 =	simm.s32 @!p0 $0x1C02  }
0x38: {  	[timem:s3], [sflag:s2] =	dma.local @!p0 [hbm:s0], s1  }
0x39: {  	s0 =	simm.s32 @!p0 $0x2  }
0x3a: {  	_ =	swait.ge @!p0 [sflag:s0], s1  }
0x3b: {  	s1 =	ssub.s32 @!p0 $0x0, s1;
	[sflag:s0] =	ssyncset.done @!p0 $0x0  }
0x3c: {  	[sflag:s0] =	ssyncadd.s32 @!p0 s1  }
0x3d: {  	[bflag:$0x3] =	sbarrier.arrive $0xFFFF  }
0x3e: {  	_ =	shalt  }

// kernel: kernel.13.cloned.1.call-start
scs
__scs_entry_jumppad:
0x0: {  	(pc) =	sbr.rel $0x88, $3  }
0x1: {  	(tag) =	ssettag $0x0;
	lr =	simm.s32 $0x1  }
0x2: {  	[smem:$0x3F95] =	sst lr;
	_ =	strace $0xD0000000  }
0x3: {  	_ = 	snop  }
0x4: {  	_ = 	snop  }
0x5: {  	_ = 	snop  }
0x6: {  	_ = 	snop  }
0x7: {  	_ = 	snop  }
__scs_overlays_trampoline_lowered:
0x8: {  	[smem:$0x3FA4] =	sst s0  }
0x9: {  	[smem:$0x3FA5] =	sst s1  }
0xa: {  	[smem:$0x3FA6] =	sst s2  }
0xb: {  	[smem:$0x3FA7] =	sst s3  }
0xc: {  	[smem:$0x3FA8] =	sst s4  }
0xd: {  	[smem:$0x3FA9] =	sst s5  }
0xe: {  	[smem:$0x3FAA] =	sst s6  }
0xf: {  	[smem:$0x3FAB] =	sst s7  }
0x10: {  	[smem:$0x3FAC] =	sst s8  }
0x11: {  	[smem:$0x3FAD] =	sst s9;
	s0 =	simm.s32 @!p0 $0x0  }
0x12: {  	s1 =	sld [smem:$0x3F93];
	s0 =	simm.s32 @p0 $0x1  }
0x13: {  	[smem:$0x3FAE] =	sst s0;
	s0 =	simm.s32 @!p1 $0x0  }
0x14: {  	s2 =	sld [smem:$0x3F92];
	s0 =	simm.s32 @p1 $0x1  }
0x15: {  	[smem:$0x3FAF] =	sst s0;
	s0 =	simm.s32 @!p2 $0x0  }
0x16: {  	s3 =	sld [smem:$0x3FDB];
	s0 =	simm.s32 @p2 $0x1  }
0x17: {  	s4 =	simm.s32 $0x1BF5;
	[smem:$0x3FB1] =	sst s0  }
0x18: {  	s0 =	sld [smem:$0x3F94];
	_ =	swait.ge [sflag:s4], $0x0  }
0x19: {  	s7 =	sld [smem:$0x3F95]  }
0x1a: {  	s8 =	sadd.s32 $0xFFFFE003, lr  }
0x1b: {  	s9 =	sadd.s32 $0xFFFFFEF7, lr;
	s5 =	simm.s32 $0xFFFFFFFF;
	p2 =	slt.u32 s8, $0xFFFFF086  }
0x1c: {  	p1 =	slt.u32 s9, $0xF7A;
	s5 =	simm.s32 @!p2 $0x0  }
0x1d: {  	s5 =	simm.s32 @p1 $0x1;
	p0 =	seq.s32 s7, s2  }
0x1e: {  	s7 =	smul.u32 @!p0 $0xF7A, s2;
	p2 =	seq.s32 @!p0 s5, $0x0  }
0x1f: {  	s9 =	smul.u32 $0xF7A, s1;
	s8 =	simm.s32 @!p0 $0x1BF5;
	p2 =	por !p2, p0  }
0x20: {  	[sflag:s8] =	ssyncset.s32 @!p0 $0xFFFFF086;
	s6 =	sadd.s32 @!p0 s3, s7;
	s7 =	simm.s32 @!p0 $0x108  }
0x21: {  	s3 =	sadd.s32 s3, s9;
	s6 =	sadd.s32 @!p0 $0x88, s6;
	s7 =	simm.s32 @p2 $0x1082  }
0x22: {  	[simem:s7], [sflag:s8] =	dma.local @!p0 [hbm:s6], $0xF7A  }
0x23: {  	s9 =	sor.u32 $0xD0000000, s2;
	s6 =	simm.s32 $0x108;
	_ =	swait.ge @!p0 [sflag:s8], $0x0  }
0x24: {  	s3 =	sadd.s32 $0x88, s3;
	s6 =	simm.s32 @!p1 $0x1082;
	[sflag:s4] =	ssyncset.s32 $0xFFFFF086  }
0x25: {  	[simem:s6], [sflag:s4] =	dma.local [hbm:s3], $0xF7A  }
0x26: {  	[smem:$0x3F95] =	sst s1;
	(tag) =	ssettag s2;
	_ =	strace s9  }
0x27: {  	s1 =	sld [smem:$0x3FA5]  }
0x28: {  	s2 =	sld [smem:$0x3FA6]  }
0x29: {  	s4 =	sld [smem:$0x3FA8]  }
0x2a: {  	p0 =	seq.s32 s5, $0x0;
	s5 =	sld [smem:$0x3FA9]  }
0x2b: {  	s6 =	sld [smem:$0x3FAA]  }
0x2c: {  	s7 =	sld [smem:$0x3FAB]  }
0x2d: {  	s3 =	simm.s32 $0x108;
	s8 =	sld [smem:$0x3FAC]  }
0x2e: {  	s3 =	simm.s32 @!p0 $0x1082;
	s9 =	sld [smem:$0x3FAD]  }
0x2f: {  	lr =	sadd.s32 s0, s3;
	s0 =	sld [smem:$0x3FA4]  }
0x30: {  	s3 =	sld [smem:$0x3FA7]  }
0x31: {  	[smem:$0x3FB0] =	sst s10  }
0x32: {  	s10 =	sld [smem:$0x3FAE];
	_ =	sdelay $0x3  }
0x33: {  	p0 =	seq.s32 s10, $0x1;
	s10 =	sld [smem:$0x3FB0];
	_ =	sdelay $0x3  }
0x34: {  	[smem:$0x3FB0] =	sst s10  }
0x35: {  	s10 =	sld [smem:$0x3FAF];
	_ =	sdelay $0x3  }
0x36: {  	p1 =	seq.s32 s10, $0x1;
	s10 =	sld [smem:$0x3FB0];
	_ =	sdelay $0x3  }
0x37: {  	[smem:$0x3FB0] =	sst s10  }
0x38: {  	s10 =	sld [smem:$0x3FB1]  }
0x39: {  	_ = 	snop;
	(pc) =	sbr.ind lr, $3  }
0x3a: {  	_ = 	snop  }
0x3b: {  	_ = 	snop  }
0x3c: {  	p2 =	seq.s32 s10, $0x1;
	s10 =	sld [smem:$0x3FB0]  }
0x3d: {  	_ =	shalt  }
0x3e: {  	_ =	shalt  }
0x3f: {  	_ =	shalt  }
0x40: {  	_ =	shalt  }
0x41: {  	_ =	shalt  }
0x42: {  	_ =	shalt  }
0x43: {  	_ =	shalt  }
0x44: {  	_ =	shalt  }
0x45: {  	_ =	shalt  }
0x46: {  	_ =	shalt  }
0x47: {  	_ =	shalt  }
0x48: {  	_ =	shalt  }
0x49: {  	_ =	shalt  }
0x4a: {  	_ =	shalt  }
0x4b: {  	_ =	shalt  }
0x4c: {  	_ =	shalt  }
0x4d: {  	_ =	shalt  }
0x4e: {  	_ =	shalt  }
0x4f: {  	_ =	shalt  }
0x50: {  	_ =	shalt  }
0x51: {  	_ =	shalt  }
0x52: {  	_ =	shalt  }
0x53: {  	_ =	shalt  }
0x54: {  	_ =	shalt  }
0x55: {  	_ =	shalt  }
0x56: {  	_ =	shalt  }
0x57: {  	_ =	shalt  }
0x58: {  	_ =	shalt  }
0x59: {  	_ =	shalt  }
0x5a: {  	_ =	shalt  }
0x5b: {  	_ =	shalt  }
0x5c: {  	_ =	shalt  }
0x5d: {  	_ =	shalt  }
0x5e: {  	_ =	shalt  }
0x5f: {  	_ =	shalt  }
0x60: {  	_ =	shalt  }
0x61: {  	_ =	shalt  }
0x62: {  	_ =	shalt  }
0x63: {  	_ =	shalt  }
0x64: {  	_ =	shalt  }
0x65: {  	_ =	shalt  }
0x66: {  	_ =	shalt  }
0x67: {  	_ =	shalt  }
0x68: {  	_ =	shalt  }
0x69: {  	_ =	shalt  }
0x6a: {  	_ =	shalt  }
0x6b: {  	_ =	shalt  }
0x6c: {  	_ =	shalt  }
0x6d: {  	_ =	shalt  }
0x6e: {  	_ =	shalt  }
0x6f: {  	_ =	shalt  }
0x70: {  	_ =	shalt  }
0x71: {  	_ =	shalt  }
0x72: {  	_ =	shalt  }
0x73: {  	_ =	shalt  }
0x74: {  	_ =	shalt  }
0x75: {  	_ =	shalt  }
0x76: {  	_ =	shalt  }
0x77: {  	_ =	shalt  }
0x78: {  	_ =	shalt  }
0x79: {  	_ =	shalt  }
0x7a: {  	_ =	shalt  }
0x7b: {  	_ =	shalt  }
0x7c: {  	_ =	shalt  }
0x7d: {  	_ =	shalt  }
0x7e: {  	_ =	shalt  }
0x7f: {  	_ =	shalt  }
0x80: {  	_ =	shalt  }
0x81: {  	_ =	shalt  }
0x82: {  	_ =	shalt  }
0x83: {  	_ =	shalt  }
0x84: {  	_ =	shalt  }
0x85: {  	_ =	shalt  }
0x86: {  	_ =	shalt  }
0x87: {  	_ =	shalt  }
.Lfunc_end0:
.L_simem_size_0:
called_computation.1_lowered:
.L_overlay_start_0:
0x88: {  	s2 =	sld [smem:$0x3FD9]  }
0x89: {  	s3 =	sld [smem:$0x3FFE];
	_ =	sdelay $0x1  }
0x8a: {  	s1 =	srdreg.scid  }
0x8b: {  	s0 =	sand.u32 $0x1, s1  }
0x8c: {  	s16 =	sshll.u32 s0, $0xA;
	s2 =	sadd.s32 s3, s2  }
0x8d: {  	s2 =	sadd.s32 s2, s16  }
0x8e: {  	[smem:$0x3FBC] =	sst s2  }
0x8f: {  	_ = 	snop  }
0x90: {  	(tm) =	ssettm $0x1  }
0x91: {  	s17 =	sld [smem:$0x3FFB];
	_ =	sdelay $0x3  }
0x92: {  	_ =	strace s17  }
0x93: {  	s2 =	sld [smem:$0x3FFC];
	_ =	sdelay $0x3  }
0x94: {  	_ =	strace s2  }
0x95: {  	s2 =	sld [smem:$0x3FFD];
	_ =	sdelay $0x3  }
0x96: {  	_ =	strace s2  }
0x97: {  	_ =	strace $0x8FFFFFFF  }
0x98: {  	s18 =	sld [smem:$0x3FDB];
	_ =	sdelay $0x1  }
0x99: {  	s19 =	simm.s32 $_scs_section_size  }
0x9a: {  	s4 =	simm.s32 $_size__tile_overlayer_lowered;
	s5 =	simm.s32 $_tile_overlayer_lowered  }
0x9b: {  	s22 =	simm.s32 $0x1BFF;
	s21 =	sshll.u32 s5, $0x1;
	s2 =	sadd.s32 s19, s18  }
0x9c: {  	s6 =	simm.s32 $0x0;
	s20 =	sshll.u32 s4, $0x1;
	s4 =	sadd.s32 s21, s2  }
0x9d: {  	[timem:s6], [sflag:s22] =	dma.local [hbm:s4], s20  }
0x9e: {  	_ =	swait.ge [sflag:s22], s20  }
0x9f: {  	s3 =	ssub.s32 $0x0, s20;
	[sflag:s22] =	ssyncset.done $0x0  }
0xa0: {  	[sflag:s22] =	ssyncadd.s32 s3;
	_ =	sdelay $0x1  }
0xa1: {  	s23 =	simm.s32 $0x1B8B  }
0xa2: {  	_ =	swait.ge [sflag:s23], $0x1  }
0xa3: {  	[sflag:s23] =	ssyncset.done $0x0  }
0xa4: {  	s25 =	simm.s32 $0x1B8E;
	s24 =	sld [smem:$0x3FFE];
	[sflag:s23] =	ssyncadd.s32 $0xFFFFFFFF  }
0xa5: {  	s26 =	simm.s32 $execute0_lowered;
	[smem:$0x3FD2] =	sst s25  }
0xa6: {  	s4 =	sshll.u32 s26, $0x1;
	_ =	strace $0x80000049;
	[dreg:$0x1] =	wrdreg $0xFFFFFFFF  }
0xa7: {  	s28 =	simm.s32 $_size_execute0_lowered;
	s2 =	sadd.s32 s2, s4;
	[dreg:$0x0] =	wrdreg $0x0  }
0xa8: {  	s4 =	sshll.u32 s28, $0x1;
	[dreg:$0x2] =	wrdreg s2  }
0xa9: {  	[dreg:$0x3] =	wrdreg s4  }
0xaa: {  	[dreg:$0x4] =	wrdreg $0xC0  }
0xab: {  	_ =	task [dreg:s6], $0x5FFFF  }
0xac: {  	[dreg:$0x1] =	wrdreg $0xFFFFFFFF  }
0xad: {  	[dreg:$0x0] =	wrdreg $0x60  }
0xae: {  	[dreg:$0x2] =	wrdreg s24  }
0xaf: {  	[dreg:$0x3] =	wrdreg $0x70000  }
0xb0: {  	[dreg:$0x4] =	wrdreg $0xBF000  }
0xb1: {  	[dreg:$0x5] =	wrdreg $0x9  }
0xb2: {  	_ =	task.clear_ibuf [dreg:s6], $0x6FFFF;
	_ =	strace $0x90000049  }
0xb3: {  	s29 =	simm.s32 $0x9;
	_ =	strace $0x8000004B  }
0xb4: {  	_ =	swait.ge [sflag:s29], $0x1  }
0xb5: {  	[sflag:s29] =	ssyncadd.s32 $0xFFFFFFFF  }
0xb6: {  	_ =	strace $0x9000004B  }
0xb7: {  	_ =	sfence  }
0xb8: {  	s30 =	sld [smem:$0x0];
	_ =	sdelay $0x2  }
0xb9: {  	s31 =	sshll.u32 s1, $0xD;
	s1 =	sshrl.u32 s1, $0x2  }
0xba: {  	s3 =	sand.u32 $0x4000, s31;
	s1 =	sadd.s32 s1, s30  }
0xbb: {  	s0 =	sor.u32 s3, s0;
	s1 =	sshll.u32 s1, $0x11  }
0xbc: {  	s0 =	sor.u32 s1, s0  }
0xbd: {  	s0 =	sadd.s32 $0x8F2B, s0  }
0xbe: {  	[sflag:s0] =	ssyncadd.remote.s32 $0x1  }
0xbf: {  	_ =	sfence.sel $0xFFFF  }
0xc0: {  	[dreg:$0x0] =	wrdreg $0xFFFFFFFF;
	(pc) =	sbr.abs _section_cstart, $3  }
0xc1: {  	[dreg:$0x1] =	wrdreg $0xFFFFFFFF  }
0xc2: {  	_ =	task.clear_ibuf [dreg:s6], $0x2FFFF;
	_ =	strace $0x9FFFFFFF  }
0xc3: {  	(tm) =	ssettm $0x7FFFFFFF  }
tec
execute0_lowered:
.L_overlay_start_1:
0x0: {  	(tag) =	ssettag $0x1  }
0x1: {  	s6 =	rddreg [dreg:$0x0]  }
0x2: {  	s2 =	rddreg [dreg:$0x1]  }
0x3: {  	s0 =	srdreg.scid;
	s3 =	rddreg [dreg:$0x2];
	s4 =	simm.s32 $0x0  }
0x4: {  	s12 =	simm.s32 $0x2800;
	s16 =	simm.s32 $0x80;
	s17 =	simm.s32 $0x5000  }
0x5: {  	s18 =	simm.s32 $0x6000;
	s19 =	simm.s32 $0x1;
	s20 =	simm.s32 $0x2  }
0x6: {  	s21 =	simm.s32 $0x2780;
	s22 =	simm.s32 $0x4F00;
	s23 =	simm.s32 $0x4F80  }
0x7: {  	s24 =	simm.s32 $0x0;
	s5 =	sand.u32 $0x1, s0;
	s0 =	stileid.u32  }
0x8: {  	[smem:$0x7FF] =	sst s4;
	s1 =	sshll.u32 s5, $0x4;
	s8 =	smul.u32 $0x4F00, s0  }
0x9: {  	s9 =	smul.u32 $0x4F000, s5;
	s5 =	ssub.s32 $0x2, s5;
	s13 =	sshll.u32 s0, $0x6  }
0xa: {  	s1 =	sor.u32 s0, s1;
	s31 =	sshrl.u32 s5, $0x1;
	s13 =	sor.u32 $0x1C03, s13  }
0xb: {  	s7 =	smul.u32 $0x500, s1;
	s1 =	rddreg [dreg:$0x3];
	_ =	strace $0x8000004A  }
0xc: {  	s9 =	sadd.s32 s8, s9;
	s10 =	sshrl.u32 s8, $0x3;
	s11 =	ssub.s32 s5, s31  }
0xd: {  	s14 =	sadd.s32 s8, s2;
	s15 =	sadd.s32 s8, s3;
	s9 =	sshrl.u32 s9, $0x3  }
0xe: {  	s10 =	sadd.s32 s10, s6;
	s14 =	sshrl.u32 s14, $0x3;
	s15 =	sshrl.u32 s15, $0x3  }
0xf: {  	s7 =	sadd.s32 s7, s6;
	s9 =	sadd.s32 s9, s6;
	s8 =	sadd.s32 $0x18200, s10  }
0x10: {  	s5 =	sadd.s32 $0xE200, s7;
	s6 =	sadd.s32 $0x4200, s7;
	s7 =	sadd.s32 $0x22000, s10  }
0x11: {  	s9 =	sadd.s32 $0x2BE00, s9;
	s10 =	smax.u32 s11, $0x1;
	s11 =	simm.s32 $0x3  }
.LBB2_1:
0x12: {  	[tilespmem:s4], [sflag:$0x3] =	stream.linear.gather [hbm4b:s5+s4], $0x2800, $0x38;
	[tilespmem:$0x10E00] =	vst v63  }
0x13: {  	_ =	swait.ge [sflag:s11], $0x2800  }
0x14: {  	[sflag:s11] =	ssyncset.done $0x0  }
0x15: {  	[sflag:s11] =	ssyncadd.s32 $0xFFFFD800  }
0x16: {  	[tilespmem:s12], [sflag:$0x3] =	stream.linear.gather [hbm4b:s6+s4], $0x2800, $0x38;
	[tilespmem:$0x10E00] =	vst v63  }
0x17: {  	_ =	swait.ge [sflag:s11], $0x2800  }
0x18: {  	[sflag:s11] =	ssyncset.done $0x0  }
0x19: {  	[sflag:s11] =	ssyncadd.s32 $0xFFFFD800  }
0x1a: {  	[spmem:s14], [sflag:s13] =	dma.local [hbm:s7], $0x9E0  }
0x1b: {  	_ =	swait.ge [sflag:s11], $0x9E0  }
0x1c: {  	[sflag:s11] =	ssyncset.done $0x0  }
0x1d: {  	[sflag:s11] =	ssyncadd.s32 $0xFFFFF620  }
0x1e: {  	[spmem:s15], [sflag:s13] =	dma.local [hbm:s8], $0x9E0  }
0x1f: {  	_ =	swait.ge [sflag:s11], $0x9E0  }
0x20: {  	[sflag:s11] =	ssyncset.done $0x0  }
0x21: {  	[sflag:s11] =	ssyncadd.s32 $0xFFFFF620  }
0x22: {  	[bflag:$0x0] =	sbarrier.arrive $0xFFFF  }
0x23: {  	[tilespmem:s17], [sflag:$0x1] =	stream.indirect.gather [spmem:s2], $0x20, s4, s16, $0xb8;
	[tilespmem:$0x10E00] =	vst v63  }
0x24: {  	s25 =	simm.s32 $0x80  }
0x25: {  	[tilespmem:s18], [sflag:$0x2] =	stream.indirect.gather [spmem:s2], $0x20, s25, s16, $0xb8;
	[tilespmem:$0x10E00] =	vst v63  }
0x26: {  	_ =	swait.ge [sflag:s19], $0x1000  }
0x27: {  	[sflag:s19] =	ssyncset.done $0x0  }
0x28: {  	s29 =	simm.s32 $0x2800;
	[sflag:s19] =	ssyncadd.s32 $0xFFFFF000  }
0x29: {  	[spmem:s3] =	stream.indirect.scatter.add.f32 [tilespmem:s17], [sflag:$0x3], $0x20, s29, s16, $0xb8;
	[tilespmem:$0x10E00] =	vst v63  }
0x2a: {  	_ =	swait.ge [sflag:s11], $0x1000  }
0x2b: {  	[sflag:s11] =	ssyncset.done $0x0  }
0x2c: {  	s30 =	simm.s32 $0x100;
	[sflag:s11] =	ssyncadd.s32 $0xFFFFF000  }
0x2d: {  	[tilespmem:s17], [sflag:$0x1] =	stream.indirect.gather [spmem:s2], $0x20, s30, s16, $0xb8;
	[tilespmem:$0x10E00] =	vst v63  }
0x2e: {  	_ =	swait.ge [sflag:s20], $0x1000  }
0x2f: {  	[sflag:s20] =	ssyncset.done $0x0  }
0x30: {  	s31 =	simm.s32 $0x2880;
	[sflag:s20] =	ssyncadd.s32 $0xFFFFF000  }
0x31: {  	[spmem:s3] =	stream.indirect.scatter.add.f32 [tilespmem:s18], [sflag:$0x3], $0x20, s31, s16, $0xb8;
	[tilespmem:$0x10E00] =	vst v63  }
0x32: {  	_ =	swait.ge [sflag:s11], $0x1000  }
0x33: {  	s26 =	simm.s32 $0x800;
	s25 =	simm.s32 $0x100;
	[sflag:s11] =	ssyncset.done $0x0  }
.LBB2_2:
0x34: {  	s28 =	sadd.s32 $0x80, s25  }
0x35: {  	[sflag:s11] =	ssyncadd.s32 $0xFFFFF000;
	s29 =	smov.u32 s26;
	s30 =	sadd.s32 $0x400, s26  }
0x36: {  	[tilespmem:s18], [sflag:$0x2] =	stream.indirect.gather [spmem:s2], $0x20, s28, s16, $0xb8;
	[tilespmem:$0x10E00] =	vst v63  }
0x37: {  	p0 =	sne.s32 s26, $0x9800;
	_ =	swait.ge [sflag:s19], $0x1000  }
0x38: {  	[sflag:s19] =	ssyncset.done $0x0  }
0x39: {  	s26 =	sadd.s32 $0x2800, s25;
	[sflag:s19] =	ssyncadd.s32 $0xFFFFF000  }
0x3a: {  	[spmem:s3] =	stream.indirect.scatter.add.f32 [tilespmem:s17], [sflag:$0x3], $0x20, s26, s16, $0xb8;
	[tilespmem:$0x10E00] =	vst v63  }
0x3b: {  	_ =	swait.ge [sflag:s11], $0x1000  }
0x3c: {  	[sflag:s11] =	ssyncset.done $0x0  }
0x3d: {  	s26 =	sadd.s32 $0x100, s25;
	[sflag:s11] =	ssyncadd.s32 $0xFFFFF000  }
0x3e: {  	[tilespmem:s17], [sflag:$0x1] =	stream.indirect.gather [spmem:s2], $0x20, s26, s16, $0xb8;
	[tilespmem:$0x10E00] =	vst v63  }
0x3f: {  	_ =	swait.ge [sflag:s20], $0x1000  }
.Ltmp0:
0x40: {  	[sflag:s20] =	ssyncset.done $0x0;
	(pc) =	sbr.rel @p0 .LBB2_2-.Ltmp0, $4  }
0x41: {  	s25 =	sadd.s32 $0x2880, s25;
	[sflag:s20] =	ssyncadd.s32 $0xFFFFF000  }
0x42: {  	[spmem:s3] =	stream.indirect.scatter.add.f32 [tilespmem:s18], [sflag:$0x3], $0x20, s25, s16, $0xb8;
	[tilespmem:$0x10E00] =	vst v63  }
0x43: {  	_ =	swait.ge [sflag:s11], $0x1000  }
0x44: {  	s26 =	smov.u32 s30;
	s25 =	sshra.s32 s29, $0x2;
	[sflag:s11] =	ssyncset.done $0x0  }
0x45: {  	s26 =	sadd.s32 $0x80, s25;
	[sflag:s11] =	ssyncadd.s32 $0xFFFFF000  }
0x46: {  	[tilespmem:s18], [sflag:$0x2] =	stream.indirect.gather [spmem:s2], $0x20, s26, s16, $0xb8;
	[tilespmem:$0x10E00] =	vst v63  }
0x47: {  	_ =	swait.ge [sflag:s19], $0x1000  }
0x48: {  	[sflag:s19] =	ssyncset.done $0x0  }
0x49: {  	s29 =	sadd.s32 $0x2800, s25;
	[sflag:s19] =	ssyncadd.s32 $0xFFFFF000  }
0x4a: {  	[spmem:s3] =	stream.indirect.scatter.add.f32 [tilespmem:s17], [sflag:$0x3], $0x20, s29, s16, $0xb8;
	[tilespmem:$0x10E00] =	vst v63  }
0x4b: {  	_ =	swait.ge [sflag:s11], $0x1000  }
0x4c: {  	[sflag:s11] =	ssyncset.done $0x0  }
0x4d: {  	s30 =	sadd.s32 $0x100, s25;
	[sflag:s11] =	ssyncadd.s32 $0xFFFFF000  }
0x4e: {  	[tilespmem:s17], [sflag:$0x1] =	stream.indirect.gather [spmem:s2], $0x20, s30, s16, $0xb8;
	[tilespmem:$0x10E00] =	vst v63  }
0x4f: {  	_ =	swait.ge [sflag:s20], $0x1000  }
0x50: {  	[sflag:s20] =	ssyncset.done $0x0  }
0x51: {  	s31 =	sadd.s32 $0x2880, s25;
	[sflag:s20] =	ssyncadd.s32 $0xFFFFF000  }
0x52: {  	[spmem:s3] =	stream.indirect.scatter.add.f32 [tilespmem:s18], [sflag:$0x3], $0x20, s31, s16, $0xb8;
	[tilespmem:$0x10E00] =	vst v63  }
0x53: {  	_ =	swait.ge [sflag:s11], $0x1000  }
0x54: {  	[sflag:s11] =	ssyncset.done $0x0  }
0x55: {  	[sflag:s11] =	ssyncadd.s32 $0xFFFFF000  }
0x56: {  	[tilespmem:s18], [sflag:$0x2] =	stream.indirect.gather [spmem:s2], $0x20, s21, s16, $0xb8;
	[tilespmem:$0x10E00] =	vst v63  }
0x57: {  	_ =	swait.ge [sflag:s19], $0x1000  }
0x58: {  	[sflag:s19] =	ssyncset.done $0x0  }
0x59: {  	[sflag:s19] =	ssyncadd.s32 $0xFFFFF000  }
0x5a: {  	[spmem:s3] =	stream.indirect.scatter.add.f32 [tilespmem:s17], [sflag:$0x3], $0x20, s22, s16, $0xb8;
	[tilespmem:$0x10E00] =	vst v63  }
0x5b: {  	_ =	swait.ge [sflag:s11], $0x1000  }
0x5c: {  	[sflag:s11] =	ssyncset.done $0x0  }
0x5d: {  	[sflag:s11] =	ssyncadd.s32 $0xFFFFF000  }
0x5e: {  	[tilespmem:s17], [sflag:$0x1] =	stream.indirect.gather [spmem:s2], $0x20, s21, s16, $0xb8;
	[tilespmem:$0x10E00] =	vst v63  }
0x5f: {  	_ =	swait.ge [sflag:s20], $0x1000  }
0x60: {  	[sflag:s20] =	ssyncset.done $0x0  }
0x61: {  	[sflag:s20] =	ssyncadd.s32 $0xFFFFF000  }
0x62: {  	[spmem:s3] =	stream.indirect.scatter.add.f32 [tilespmem:s18], [sflag:$0x3], $0x20, s23, s16, $0xb8;
	[tilespmem:$0x10E00] =	vst v63  }
0x63: {  	_ =	swait.ge [sflag:s11], $0x1000  }
0x64: {  	[sflag:s11] =	ssyncset.done $0x0  }
0x65: {  	[sflag:s11] =	ssyncadd.s32 $0xFFFFF000  }
0x66: {  	_ =	swait.ge [sflag:s19], $0x1000  }
0x67: {  	s24 =	sadd.s32 $0x1, s24;
	[sflag:s19] =	ssyncset.done $0x0  }
0x68: {  	p0 =	sne.s32 s24, s10;
	[sflag:s19] =	ssyncadd.s32 $0xFFFFF000  }
.Ltmp1:
0x69: {  	[bflag:$0x0] =	sbarrier.arrive $0xFFFF;
	(pc) =	sbr.rel @p0 .LBB2_1-.Ltmp1, $4  }
0x6a: {  	[hbm:s9], [sflag:s13] =	dma.local [spmem:s15], $0x9E0  }
0x6b: {  	_ =	swait.ge [sflag:s11], $0x9E0  }
0x6c: {  	[sflag:s11] =	ssyncset.done $0x0  }
0x6d: {  	[sflag:s11] =	ssyncadd.s32 $0xFFFFF620  }
0x6e: {  	_ =	sfence.sel $0x180000  }
0x6f: {  	[bflag:$0x0] =	sbarrier.arrive $0xFFFF  }
0x70: {  	p0 =	sne.s32 s0, $0x0;
	_ =	strace $0x9000004A  }
0x71: {  	s0 =	sadd.s32 @!p0 $0x100000, s1;
	[bflag:$0x2] =	sbarrier.arrive $0xFFFF  }
0x72: {  	[sflag:s0] =	ssyncadd.tile.s32 @!p0 $0x1;
	_ =	shalt  }
.Lfunc_end2:
_tile_overlayer_lowered:
.L_overlay_start_2:
0x73: {  	(tag) =	ssettag $0x2  }
0x74: {  	s0 =	rddreg [dreg:$0x0];
	s2 =	stileid.u32  }
0x75: {  	s1 =	rddreg [dreg:$0x1];
	p0 =	sne.s32 s2, $0x0  }
0x76: {  	s3 =	rddreg [dreg:$0x2];
	[bflag:$0x3] =	sbarrier.arrive $0xFFFF;
	s2 =	simm.s32 @!p0 $0x1C03  }
0x77: {  	[timem:s3], [sflag:s2] =	dma.local @!p0 [hbm:s0], s1  }
0x78: {  	s0 =	simm.s32 @!p0 $0x3  }
0x79: {  	_ =	swait.ge @!p0 [sflag:s0], s1  }
0x7a: {  	s1 =	ssub.s32 @!p0 $0x0, s1;
	[sflag:s0] =	ssyncset.done @!p0 $0x0  }
0x7b: {  	[sflag:s0] =	ssyncadd.s32 @!p0 s1  }
0x7c: {  	[bflag:$0x3] =	sbarrier.arrive $0xFFFF  }
0x7d: {  	_ =	shalt  }

// kernel: kernel.16.cloned.1.call-start
scs
__scs_entry_jumppad:
0x0: {  	(pc) =	sbr.rel $0x88, $3  }
0x1: {  	(tag) =	ssettag $0x0;
	lr =	simm.s32 $0x1  }
0x2: {  	[smem:$0x3F95] =	sst lr;
	_ =	strace $0xD0000000  }
0x3: {  	_ = 	snop  }
0x4: {  	_ = 	snop  }
0x5: {  	_ = 	snop  }
0x6: {  	_ = 	snop  }
0x7: {  	_ = 	snop  }
__scs_overlays_trampoline_lowered:
0x8: {  	[smem:$0x3FA4] =	sst s0  }
0x9: {  	[smem:$0x3FA5] =	sst s1  }
0xa: {  	[smem:$0x3FA6] =	sst s2  }
0xb: {  	[smem:$0x3FA7] =	sst s3  }
0xc: {  	[smem:$0x3FA8] =	sst s4  }
0xd: {  	[smem:$0x3FA9] =	sst s5  }
0xe: {  	[smem:$0x3FAA] =	sst s6  }
0xf: {  	[smem:$0x3FAB] =	sst s7  }
0x10: {  	[smem:$0x3FAC] =	sst s8  }
0x11: {  	[smem:$0x3FAD] =	sst s9;
	s0 =	simm.s32 @!p0 $0x0  }
0x12: {  	s1 =	sld [smem:$0x3F93];
	s0 =	simm.s32 @p0 $0x1  }
0x13: {  	[smem:$0x3FAE] =	sst s0;
	s0 =	simm.s32 @!p1 $0x0  }
0x14: {  	s2 =	sld [smem:$0x3F92];
	s0 =	simm.s32 @p1 $0x1  }
0x15: {  	[smem:$0x3FAF] =	sst s0;
	s0 =	simm.s32 @!p2 $0x0  }
0x16: {  	s3 =	sld [smem:$0x3FDB];
	s0 =	simm.s32 @p2 $0x1  }
0x17: {  	s4 =	simm.s32 $0x1BF5;
	[smem:$0x3FB1] =	sst s0  }
0x18: {  	s0 =	sld [smem:$0x3F94];
	_ =	swait.ge [sflag:s4], $0x0  }
0x19: {  	s7 =	sld [smem:$0x3F95]  }
0x1a: {  	s8 =	sadd.s32 $0xFFFFE003, lr  }
0x1b: {  	s9 =	sadd.s32 $0xFFFFFEF7, lr;
	s5 =	simm.s32 $0xFFFFFFFF;
	p2 =	slt.u32 s8, $0xFFFFF086  }
0x1c: {  	p1 =	slt.u32 s9, $0xF7A;
	s5 =	simm.s32 @!p2 $0x0  }
0x1d: {  	s5 =	simm.s32 @p1 $0x1;
	p0 =	seq.s32 s7, s2  }
0x1e: {  	s7 =	smul.u32 @!p0 $0xF7A, s2;
	p2 =	seq.s32 @!p0 s5, $0x0  }
0x1f: {  	s9 =	smul.u32 $0xF7A, s1;
	s8 =	simm.s32 @!p0 $0x1BF5;
	p2 =	por !p2, p0  }
0x20: {  	[sflag:s8] =	ssyncset.s32 @!p0 $0xFFFFF086;
	s6 =	sadd.s32 @!p0 s3, s7;
	s7 =	simm.s32 @!p0 $0x108  }
0x21: {  	s3 =	sadd.s32 s3, s9;
	s6 =	sadd.s32 @!p0 $0x88, s6;
	s7 =	simm.s32 @p2 $0x1082  }
0x22: {  	[simem:s7], [sflag:s8] =	dma.local @!p0 [hbm:s6], $0xF7A  }
0x23: {  	s9 =	sor.u32 $0xD0000000, s2;
	s6 =	simm.s32 $0x108;
	_ =	swait.ge @!p0 [sflag:s8], $0x0  }
0x24: {  	s3 =	sadd.s32 $0x88, s3;
	s6 =	simm.s32 @!p1 $0x1082;
	[sflag:s4] =	ssyncset.s32 $0xFFFFF086  }
0x25: {  	[simem:s6], [sflag:s4] =	dma.local [hbm:s3], $0xF7A  }
0x26: {  	[smem:$0x3F95] =	sst s1;
	(tag) =	ssettag s2;
	_ =	strace s9  }
0x27: {  	s1 =	sld [smem:$0x3FA5]  }
0x28: {  	s2 =	sld [smem:$0x3FA6]  }
0x29: {  	s4 =	sld [smem:$0x3FA8]  }
0x2a: {  	p0 =	seq.s32 s5, $0x0;
	s5 =	sld [smem:$0x3FA9]  }
0x2b: {  	s6 =	sld [smem:$0x3FAA]  }
0x2c: {  	s7 =	sld [smem:$0x3FAB]  }
0x2d: {  	s3 =	simm.s32 $0x108;
	s8 =	sld [smem:$0x3FAC]  }
0x2e: {  	s3 =	simm.s32 @!p0 $0x1082;
	s9 =	sld [smem:$0x3FAD]  }
0x2f: {  	lr =	sadd.s32 s0, s3;
	s0 =	sld [smem:$0x3FA4]  }
0x30: {  	s3 =	sld [smem:$0x3FA7]  }
0x31: {  	[smem:$0x3FB0] =	sst s10  }
0x32: {  	s10 =	sld [smem:$0x3FAE];
	_ =	sdelay $0x3  }
0x33: {  	p0 =	seq.s32 s10, $0x1;
	s10 =	sld [smem:$0x3FB0];
	_ =	sdelay $0x3  }
0x34: {  	[smem:$0x3FB0] =	sst s10  }
0x35: {  	s10 =	sld [smem:$0x3FAF];
	_ =	sdelay $0x3  }
0x36: {  	p1 =	seq.s32 s10, $0x1;
	s10 =	sld [smem:$0x3FB0];
	_ =	sdelay $0x3  }
0x37: {  	[smem:$0x3FB0] =	sst s10  }
0x38: {  	s10 =	sld [smem:$0x3FB1]  }
0x39: {  	_ = 	snop;
	(pc) =	sbr.ind lr, $3  }
0x3a: {  	_ = 	snop  }
0x3b: {  	_ = 	snop  }
0x3c: {  	p2 =	seq.s32 s10, $0x1;
	s10 =	sld [smem:$0x3FB0]  }
0x3d: {  	_ =	shalt  }
0x3e: {  	_ =	shalt  }
0x3f: {  	_ =	shalt  }
0x40: {  	_ =	shalt  }
0x41: {  	_ =	shalt  }
0x42: {  	_ =	shalt  }
0x43: {  	_ =	shalt  }
0x44: {  	_ =	shalt  }
0x45: {  	_ =	shalt  }
0x46: {  	_ =	shalt  }
0x47: {  	_ =	shalt  }
0x48: {  	_ =	shalt  }
0x49: {  	_ =	shalt  }
0x4a: {  	_ =	shalt  }
0x4b: {  	_ =	shalt  }
0x4c: {  	_ =	shalt  }
0x4d: {  	_ =	shalt  }
0x4e: {  	_ =	shalt  }
0x4f: {  	_ =	shalt  }
0x50: {  	_ =	shalt  }
0x51: {  	_ =	shalt  }
0x52: {  	_ =	shalt  }
0x53: {  	_ =	shalt  }
0x54: {  	_ =	shalt  }
0x55: {  	_ =	shalt  }
0x56: {  	_ =	shalt  }
0x57: {  	_ =	shalt  }
0x58: {  	_ =	shalt  }
0x59: {  	_ =	shalt  }
0x5a: {  	_ =	shalt  }
0x5b: {  	_ =	shalt  }
0x5c: {  	_ =	shalt  }
0x5d: {  	_ =	shalt  }
0x5e: {  	_ =	shalt  }
0x5f: {  	_ =	shalt  }
0x60: {  	_ =	shalt  }
0x61: {  	_ =	shalt  }
0x62: {  	_ =	shalt  }
0x63: {  	_ =	shalt  }
0x64: {  	_ =	shalt  }
0x65: {  	_ =	shalt  }
0x66: {  	_ =	shalt  }
0x67: {  	_ =	shalt  }
0x68: {  	_ =	shalt  }
0x69: {  	_ =	shalt  }
0x6a: {  	_ =	shalt  }
0x6b: {  	_ =	shalt  }
0x6c: {  	_ =	shalt  }
0x6d: {  	_ =	shalt  }
0x6e: {  	_ =	shalt  }
0x6f: {  	_ =	shalt  }
0x70: {  	_ =	shalt  }
0x71: {  	_ =	shalt  }
0x72: {  	_ =	shalt  }
0x73: {  	_ =	shalt  }
0x74: {  	_ =	shalt  }
0x75: {  	_ =	shalt  }
0x76: {  	_ =	shalt  }
0x77: {  	_ =	shalt  }
0x78: {  	_ =	shalt  }
0x79: {  	_ =	shalt  }
0x7a: {  	_ =	shalt  }
0x7b: {  	_ =	shalt  }
0x7c: {  	_ =	shalt  }
0x7d: {  	_ =	shalt  }
0x7e: {  	_ =	shalt  }
0x7f: {  	_ =	shalt  }
0x80: {  	_ =	shalt  }
0x81: {  	_ =	shalt  }
0x82: {  	_ =	shalt  }
0x83: {  	_ =	shalt  }
0x84: {  	_ =	shalt  }
0x85: {  	_ =	shalt  }
0x86: {  	_ =	shalt  }
0x87: {  	_ =	shalt  }
.Lfunc_end0:
.L_simem_size_0:
called_computation.2_lowered:
.L_overlay_start_0:
0x88: {  	s2 =	sld [smem:$0x3FD9]  }
0x89: {  	s3 =	sld [smem:$0x3FFE];
	_ =	sdelay $0x1  }
0x8a: {  	s1 =	srdreg.scid  }
0x8b: {  	s0 =	sand.u32 $0x1, s1  }
0x8c: {  	s16 =	sshll.u32 s0, $0xA;
	s2 =	sadd.s32 s3, s2  }
0x8d: {  	s2 =	sadd.s32 s2, s16  }
0x8e: {  	[smem:$0x3FBC] =	sst s2  }
0x8f: {  	_ = 	snop  }
0x90: {  	(tm) =	ssettm $0x1  }
0x91: {  	s17 =	sld [smem:$0x3FFB];
	_ =	sdelay $0x3  }
0x92: {  	_ =	strace s17  }
0x93: {  	s2 =	sld [smem:$0x3FFC];
	_ =	sdelay $0x3  }
0x94: {  	_ =	strace s2  }
0x95: {  	s2 =	sld [smem:$0x3FFD];
	_ =	sdelay $0x3  }
0x96: {  	_ =	strace s2  }
0x97: {  	_ =	strace $0x8FFFFFFF  }
0x98: {  	s18 =	sld [smem:$0x3FDB];
	_ =	sdelay $0x1  }
0x99: {  	s19 =	simm.s32 $_scs_section_size  }
0x9a: {  	s4 =	simm.s32 $_size__tile_overlayer_lowered;
	s5 =	simm.s32 $_tile_overlayer_lowered  }
0x9b: {  	s22 =	simm.s32 $0x1BFF;
	s21 =	sshll.u32 s5, $0x1;
	s2 =	sadd.s32 s19, s18  }
0x9c: {  	s6 =	simm.s32 $0x0;
	s20 =	sshll.u32 s4, $0x1;
	s4 =	sadd.s32 s21, s2  }
0x9d: {  	[timem:s6], [sflag:s22] =	dma.local [hbm:s4], s20  }
0x9e: {  	_ =	swait.ge [sflag:s22], s20  }
0x9f: {  	s3 =	ssub.s32 $0x0, s20;
	[sflag:s22] =	ssyncset.done $0x0  }
0xa0: {  	[sflag:s22] =	ssyncadd.s32 s3;
	_ =	sdelay $0x1  }
0xa1: {  	s23 =	simm.s32 $0x1B8B  }
0xa2: {  	_ =	swait.ge [sflag:s23], $0x1  }
0xa3: {  	[sflag:s23] =	ssyncset.done $0x0  }
0xa4: {  	s25 =	simm.s32 $0x1B8E;
	s24 =	sld [smem:$0x3FFE];
	[sflag:s23] =	ssyncadd.s32 $0xFFFFFFFF  }
0xa5: {  	s26 =	simm.s32 $execute0_lowered;
	[smem:$0x3FD2] =	sst s25  }
0xa6: {  	s4 =	sshll.u32 s26, $0x1;
	_ =	strace $0x8000004C;
	[dreg:$0x1] =	wrdreg $0xFFFFFFFF  }
0xa7: {  	s28 =	simm.s32 $_size_execute0_lowered;
	s2 =	sadd.s32 s2, s4;
	[dreg:$0x0] =	wrdreg $0x0  }
0xa8: {  	s4 =	sshll.u32 s28, $0x1;
	[dreg:$0x2] =	wrdreg s2  }
0xa9: {  	[dreg:$0x3] =	wrdreg s4  }
0xaa: {  	[dreg:$0x4] =	wrdreg $0xC0  }
0xab: {  	_ =	task [dreg:s6], $0x5FFFF  }
0xac: {  	[dreg:$0x1] =	wrdreg $0xFFFFFFFF  }
0xad: {  	[dreg:$0x0] =	wrdreg $0x60  }
0xae: {  	[dreg:$0x2] =	wrdreg s24  }
0xaf: {  	[dreg:$0x3] =	wrdreg $0x70000  }
0xb0: {  	[dreg:$0x4] =	wrdreg $0xBF000  }
0xb1: {  	[dreg:$0x5] =	wrdreg $0x9  }
0xb2: {  	_ =	task.clear_ibuf [dreg:s6], $0x6FFFF;
	_ =	strace $0x9000004C  }
0xb3: {  	s29 =	simm.s32 $0x9;
	_ =	strace $0x8000004E  }
0xb4: {  	_ =	swait.ge [sflag:s29], $0x1  }
0xb5: {  	[sflag:s29] =	ssyncadd.s32 $0xFFFFFFFF  }
0xb6: {  	_ =	strace $0x9000004E  }
0xb7: {  	_ =	sfence  }
0xb8: {  	s30 =	sld [smem:$0x0];
	_ =	sdelay $0x2  }
0xb9: {  	s31 =	sshll.u32 s1, $0xD;
	s1 =	sshrl.u32 s1, $0x2  }
0xba: {  	s3 =	sand.u32 $0x4000, s31;
	s1 =	sadd.s32 s1, s30  }
0xbb: {  	s0 =	sor.u32 s3, s0;
	s1 =	sshll.u32 s1, $0x11  }
0xbc: {  	s0 =	sor.u32 s1, s0  }
0xbd: {  	s0 =	sadd.s32 $0x8F2B, s0  }
0xbe: {  	[sflag:s0] =	ssyncadd.remote.s32 $0x1  }
0xbf: {  	_ =	sfence.sel $0xFFFF  }
0xc0: {  	[dreg:$0x0] =	wrdreg $0xFFFFFFFF;
	(pc) =	sbr.abs _section_cstart, $3  }
0xc1: {  	[dreg:$0x1] =	wrdreg $0xFFFFFFFF  }
0xc2: {  	_ =	task.clear_ibuf [dreg:s6], $0x2FFFF;
	_ =	strace $0x9FFFFFFF  }
0xc3: {  	(tm) =	ssettm $0x7FFFFFFF  }
tec
execute0_lowered:
.L_overlay_start_1:
0x0: {  	(tag) =	ssettag $0x1  }
0x1: {  	s6 =	rddreg [dreg:$0x0]  }
0x2: {  	s2 =	rddreg [dreg:$0x1]  }
0x3: {  	s0 =	srdreg.scid;
	s3 =	rddreg [dreg:$0x2];
	s4 =	simm.s32 $0x0  }
0x4: {  	s12 =	simm.s32 $0x2800;
	s16 =	simm.s32 $0x80;
	s17 =	simm.s32 $0x5000  }
0x5: {  	s18 =	simm.s32 $0x6000;
	s19 =	simm.s32 $0x1;
	s20 =	simm.s32 $0x2  }
0x6: {  	s21 =	simm.s32 $0x2780;
	s22 =	simm.s32 $0x4F00;
	s23 =	simm.s32 $0x4F80  }
0x7: {  	s24 =	simm.s32 $0x0;
	s5 =	sand.u32 $0x1, s0;
	s0 =	stileid.u32  }
0x8: {  	[smem:$0x7FF] =	sst s4;
	s1 =	sshll.u32 s5, $0x4;
	s8 =	smul.u32 $0x4F00, s0  }
0x9: {  	s9 =	smul.u32 $0x4F000, s5;
	s5 =	ssub.s32 $0x2, s5;
	s13 =	sshll.u32 s0, $0x6  }
0xa: {  	s1 =	sor.u32 s0, s1;
	s31 =	sshrl.u32 s5, $0x1;
	s13 =	sor.u32 $0x1C03, s13  }
0xb: {  	s7 =	smul.u32 $0x500, s1;
	s1 =	rddreg [dreg:$0x3];
	_ =	strace $0x8000004D  }
0xc: {  	s9 =	sadd.s32 s8, s9;
	s10 =	sshrl.u32 s8, $0x3;
	s11 =	ssub.s32 s5, s31  }
0xd: {  	s14 =	sadd.s32 s8, s2;
	s15 =	sadd.s32 s8, s3;
	s9 =	sshrl.u32 s9, $0x3  }
0xe: {  	s10 =	sadd.s32 s10, s6;
	s14 =	sshrl.u32 s14, $0x3;
	s15 =	sshrl.u32 s15, $0x3  }
0xf: {  	s7 =	sadd.s32 s7, s6;
	s9 =	sadd.s32 s9, s6;
	s8 =	sadd.s32 $0x18200, s10  }
0x10: {  	s5 =	sadd.s32 $0xE200, s7;
	s6 =	sadd.s32 $0x4200, s7;
	s7 =	sadd.s32 $0x22000, s10  }
0x11: {  	s9 =	sadd.s32 $0x2BE00, s9;
	s10 =	smax.u32 s11, $0x1;
	s11 =	simm.s32 $0x3  }
.LBB2_1:
0x12: {  	[tilespmem:s4], [sflag:$0x3] =	stream.linear.gather [hbm4b:s5+s4], $0x2800, $0x38;
	[tilespmem:$0x10E00] =	vst v63  }
0x13: {  	_ =	swait.ge [sflag:s11], $0x2800  }
0x14: {  	[sflag:s11] =	ssyncset.done $0x0  }
0x15: {  	[sflag:s11] =	ssyncadd.s32 $0xFFFFD800  }
0x16: {  	[tilespmem:s12], [sflag:$0x3] =	stream.linear.gather [hbm4b:s6+s4], $0x2800, $0x38;
	[tilespmem:$0x10E00] =	vst v63  }
0x17: {  	_ =	swait.ge [sflag:s11], $0x2800  }
0x18: {  	[sflag:s11] =	ssyncset.done $0x0  }
0x19: {  	[sflag:s11] =	ssyncadd.s32 $0xFFFFD800  }
0x1a: {  	[spmem:s14], [sflag:s13] =	dma.local [hbm:s7], $0x9E0  }
0x1b: {  	_ =	swait.ge [sflag:s11], $0x9E0  }
0x1c: {  	[sflag:s11] =	ssyncset.done $0x0  }
0x1d: {  	[sflag:s11] =	ssyncadd.s32 $0xFFFFF620  }
0x1e: {  	[spmem:s15], [sflag:s13] =	dma.local [hbm:s8], $0x9E0  }
0x1f: {  	_ =	swait.ge [sflag:s11], $0x9E0  }
0x20: {  	[sflag:s11] =	ssyncset.done $0x0  }
0x21: {  	[sflag:s11] =	ssyncadd.s32 $0xFFFFF620  }
0x22: {  	[bflag:$0x0] =	sbarrier.arrive $0xFFFF  }
0x23: {  	[tilespmem:s17], [sflag:$0x1] =	stream.indirect.gather [spmem:s2], $0x20, s4, s16, $0xb8;
	[tilespmem:$0x10E00] =	vst v63  }
0x24: {  	s25 =	simm.s32 $0x80  }
0x25: {  	[tilespmem:s18], [sflag:$0x2] =	stream.indirect.gather [spmem:s2], $0x20, s25, s16, $0xb8;
	[tilespmem:$0x10E00] =	vst v63  }
0x26: {  	_ =	swait.ge [sflag:s19], $0x1000  }
0x27: {  	[sflag:s19] =	ssyncset.done $0x0  }
0x28: {  	s29 =	simm.s32 $0x2800;
	[sflag:s19] =	ssyncadd.s32 $0xFFFFF000  }
0x29: {  	[spmem:s3] =	stream.indirect.scatter.add.f32 [tilespmem:s17], [sflag:$0x3], $0x20, s29, s16, $0xb8;
	[tilespmem:$0x10E00] =	vst v63  }
0x2a: {  	_ =	swait.ge [sflag:s11], $0x1000  }
0x2b: {  	[sflag:s11] =	ssyncset.done $0x0  }
0x2c: {  	s30 =	simm.s32 $0x100;
	[sflag:s11] =	ssyncadd.s32 $0xFFFFF000  }
0x2d: {  	[tilespmem:s17], [sflag:$0x1] =	stream.indirect.gather [spmem:s2], $0x20, s30, s16, $0xb8;
	[tilespmem:$0x10E00] =	vst v63  }
0x2e: {  	_ =	swait.ge [sflag:s20], $0x1000  }
0x2f: {  	[sflag:s20] =	ssyncset.done $0x0  }
0x30: {  	s31 =	simm.s32 $0x2880;
	[sflag:s20] =	ssyncadd.s32 $0xFFFFF000  }
0x31: {  	[spmem:s3] =	stream.indirect.scatter.add.f32 [tilespmem:s18], [sflag:$0x3], $0x20, s31, s16, $0xb8;
	[tilespmem:$0x10E00] =	vst v63  }
0x32: {  	_ =	swait.ge [sflag:s11], $0x1000  }
0x33: {  	s26 =	simm.s32 $0x800;
	s25 =	simm.s32 $0x100;
	[sflag:s11] =	ssyncset.done $0x0  }
.LBB2_2:
0x34: {  	s28 =	sadd.s32 $0x80, s25  }
0x35: {  	[sflag:s11] =	ssyncadd.s32 $0xFFFFF000;
	s29 =	smov.u32 s26;
	s30 =	sadd.s32 $0x400, s26  }
0x36: {  	[tilespmem:s18], [sflag:$0x2] =	stream.indirect.gather [spmem:s2], $0x20, s28, s16, $0xb8;
	[tilespmem:$0x10E00] =	vst v63  }
0x37: {  	p0 =	sne.s32 s26, $0x9800;
	_ =	swait.ge [sflag:s19], $0x1000  }
0x38: {  	[sflag:s19] =	ssyncset.done $0x0  }
0x39: {  	s26 =	sadd.s32 $0x2800, s25;
	[sflag:s19] =	ssyncadd.s32 $0xFFFFF000  }
0x3a: {  	[spmem:s3] =	stream.indirect.scatter.add.f32 [tilespmem:s17], [sflag:$0x3], $0x20, s26, s16, $0xb8;
	[tilespmem:$0x10E00] =	vst v63  }
0x3b: {  	_ =	swait.ge [sflag:s11], $0x1000  }
0x3c: {  	[sflag:s11] =	ssyncset.done $0x0  }
0x3d: {  	s26 =	sadd.s32 $0x100, s25;
	[sflag:s11] =	ssyncadd.s32 $0xFFFFF000  }
0x3e: {  	[tilespmem:s17], [sflag:$0x1] =	stream.indirect.gather [spmem:s2], $0x20, s26, s16, $0xb8;
	[tilespmem:$0x10E00] =	vst v63  }
0x3f: {  	_ =	swait.ge [sflag:s20], $0x1000  }
.Ltmp0:
0x40: {  	[sflag:s20] =	ssyncset.done $0x0;
	(pc) =	sbr.rel @p0 .LBB2_2-.Ltmp0, $4  }
0x41: {  	s25 =	sadd.s32 $0x2880, s25;
	[sflag:s20] =	ssyncadd.s32 $0xFFFFF000  }
0x42: {  	[spmem:s3] =	stream.indirect.scatter.add.f32 [tilespmem:s18], [sflag:$0x3], $0x20, s25, s16, $0xb8;
	[tilespmem:$0x10E00] =	vst v63  }
0x43: {  	_ =	swait.ge [sflag:s11], $0x1000  }
0x44: {  	s26 =	smov.u32 s30;
	s25 =	sshra.s32 s29, $0x2;
	[sflag:s11] =	ssyncset.done $0x0  }
0x45: {  	s26 =	sadd.s32 $0x80, s25;
	[sflag:s11] =	ssyncadd.s32 $0xFFFFF000  }
0x46: {  	[tilespmem:s18], [sflag:$0x2] =	stream.indirect.gather [spmem:s2], $0x20, s26, s16, $0xb8;
	[tilespmem:$0x10E00] =	vst v63  }
0x47: {  	_ =	swait.ge [sflag:s19], $0x1000  }
0x48: {  	[sflag:s19] =	ssyncset.done $0x0  }
0x49: {  	s29 =	sadd.s32 $0x2800, s25;
	[sflag:s19] =	ssyncadd.s32 $0xFFFFF000  }
0x4a: {  	[spmem:s3] =	stream.indirect.scatter.add.f32 [tilespmem:s17], [sflag:$0x3], $0x20, s29, s16, $0xb8;
	[tilespmem:$0x10E00] =	vst v63  }
0x4b: {  	_ =	swait.ge [sflag:s11], $0x1000  }
0x4c: {  	[sflag:s11] =	ssyncset.done $0x0  }
0x4d: {  	s30 =	sadd.s32 $0x100, s25;
	[sflag:s11] =	ssyncadd.s32 $0xFFFFF000  }
0x4e: {  	[tilespmem:s17], [sflag:$0x1] =	stream.indirect.gather [spmem:s2], $0x20, s30, s16, $0xb8;
	[tilespmem:$0x10E00] =	vst v63  }
0x4f: {  	_ =	swait.ge [sflag:s20], $0x1000  }
0x50: {  	[sflag:s20] =	ssyncset.done $0x0  }
0x51: {  	s31 =	sadd.s32 $0x2880, s25;
	[sflag:s20] =	ssyncadd.s32 $0xFFFFF000  }
0x52: {  	[spmem:s3] =	stream.indirect.scatter.add.f32 [tilespmem:s18], [sflag:$0x3], $0x20, s31, s16, $0xb8;
	[tilespmem:$0x10E00] =	vst v63  }
0x53: {  	_ =	swait.ge [sflag:s11], $0x1000  }
0x54: {  	[sflag:s11] =	ssyncset.done $0x0  }
0x55: {  	[sflag:s11] =	ssyncadd.s32 $0xFFFFF000  }
0x56: {  	[tilespmem:s18], [sflag:$0x2] =	stream.indirect.gather [spmem:s2], $0x20, s21, s16, $0xb8;
	[tilespmem:$0x10E00] =	vst v63  }
0x57: {  	_ =	swait.ge [sflag:s19], $0x1000  }
0x58: {  	[sflag:s19] =	ssyncset.done $0x0  }
0x59: {  	[sflag:s19] =	ssyncadd.s32 $0xFFFFF000  }
0x5a: {  	[spmem:s3] =	stream.indirect.scatter.add.f32 [tilespmem:s17], [sflag:$0x3], $0x20, s22, s16, $0xb8;
	[tilespmem:$0x10E00] =	vst v63  }
0x5b: {  	_ =	swait.ge [sflag:s11], $0x1000  }
0x5c: {  	[sflag:s11] =	ssyncset.done $0x0  }
0x5d: {  	[sflag:s11] =	ssyncadd.s32 $0xFFFFF000  }
0x5e: {  	[tilespmem:s17], [sflag:$0x1] =	stream.indirect.gather [spmem:s2], $0x20, s21, s16, $0xb8;
	[tilespmem:$0x10E00] =	vst v63  }
0x5f: {  	_ =	swait.ge [sflag:s20], $0x1000  }
0x60: {  	[sflag:s20] =	ssyncset.done $0x0  }
0x61: {  	[sflag:s20] =	ssyncadd.s32 $0xFFFFF000  }
0x62: {  	[spmem:s3] =	stream.indirect.scatter.add.f32 [tilespmem:s18], [sflag:$0x3], $0x20, s23, s16, $0xb8;
	[tilespmem:$0x10E00] =	vst v63  }
0x63: {  	_ =	swait.ge [sflag:s11], $0x1000  }
0x64: {  	[sflag:s11] =	ssyncset.done $0x0  }
0x65: {  	[sflag:s11] =	ssyncadd.s32 $0xFFFFF000  }
0x66: {  	_ =	swait.ge [sflag:s19], $0x1000  }
0x67: {  	s24 =	sadd.s32 $0x1, s24;
	[sflag:s19] =	ssyncset.done $0x0  }
0x68: {  	p0 =	sne.s32 s24, s10;
	[sflag:s19] =	ssyncadd.s32 $0xFFFFF000  }
.Ltmp1:
0x69: {  	[bflag:$0x0] =	sbarrier.arrive $0xFFFF;
	(pc) =	sbr.rel @p0 .LBB2_1-.Ltmp1, $4  }
0x6a: {  	[hbm:s9], [sflag:s13] =	dma.local [spmem:s15], $0x9E0  }
0x6b: {  	_ =	swait.ge [sflag:s11], $0x9E0  }
0x6c: {  	[sflag:s11] =	ssyncset.done $0x0  }
0x6d: {  	[sflag:s11] =	ssyncadd.s32 $0xFFFFF620  }
0x6e: {  	_ =	sfence.sel $0x180000  }
0x6f: {  	[bflag:$0x0] =	sbarrier.arrive $0xFFFF  }
0x70: {  	p0 =	sne.s32 s0, $0x0;
	_ =	strace $0x9000004D  }
0x71: {  	s0 =	sadd.s32 @!p0 $0x100000, s1;
	[bflag:$0x2] =	sbarrier.arrive $0xFFFF  }
0x72: {  	[sflag:s0] =	ssyncadd.tile.s32 @!p0 $0x1;
	_ =	shalt  }
.Lfunc_end2:
_tile_overlayer_lowered:
.L_overlay_start_2:
0x73: {  	(tag) =	ssettag $0x2  }
0x74: {  	s0 =	rddreg [dreg:$0x0];
	s2 =	stileid.u32  }
0x75: {  	s1 =	rddreg [dreg:$0x1];
	p0 =	sne.s32 s2, $0x0  }
0x76: {  	s3 =	rddreg [dreg:$0x2];
	[bflag:$0x3] =	sbarrier.arrive $0xFFFF;
	s2 =	simm.s32 @!p0 $0x1C03  }
0x77: {  	[timem:s3], [sflag:s2] =	dma.local @!p0 [hbm:s0], s1  }
0x78: {  	s0 =	simm.s32 @!p0 $0x3  }
0x79: {  	_ =	swait.ge @!p0 [sflag:s0], s1  }
0x7a: {  	s1 =	ssub.s32 @!p0 $0x0, s1;
	[sflag:s0] =	ssyncset.done @!p0 $0x0  }
0x7b: {  	[sflag:s0] =	ssyncadd.s32 @!p0 s1  }
0x7c: {  	[bflag:$0x3] =	sbarrier.arrive $0xFFFF  }
0x7d: {  	_ =	shalt  }

// kernel: kernel.19.cloned.1.call-start
scs
__scs_entry_jumppad:
0x0: {  	(pc) =	sbr.rel $0x88, $3  }
0x1: {  	(tag) =	ssettag $0x0;
	lr =	simm.s32 $0x1  }
0x2: {  	[smem:$0x3F95] =	sst lr;
	_ =	strace $0xD0000000  }
0x3: {  	_ = 	snop  }
0x4: {  	_ = 	snop  }
0x5: {  	_ = 	snop  }
0x6: {  	_ = 	snop  }
0x7: {  	_ = 	snop  }
__scs_overlays_trampoline_lowered:
0x8: {  	[smem:$0x3FA4] =	sst s0  }
0x9: {  	[smem:$0x3FA5] =	sst s1  }
0xa: {  	[smem:$0x3FA6] =	sst s2  }
0xb: {  	[smem:$0x3FA7] =	sst s3  }
0xc: {  	[smem:$0x3FA8] =	sst s4  }
0xd: {  	[smem:$0x3FA9] =	sst s5  }
0xe: {  	[smem:$0x3FAA] =	sst s6  }
0xf: {  	[smem:$0x3FAB] =	sst s7  }
0x10: {  	[smem:$0x3FAC] =	sst s8  }
0x11: {  	[smem:$0x3FAD] =	sst s9;
	s0 =	simm.s32 @!p0 $0x0  }
0x12: {  	s1 =	sld [smem:$0x3F93];
	s0 =	simm.s32 @p0 $0x1  }
0x13: {  	[smem:$0x3FAE] =	sst s0;
	s0 =	simm.s32 @!p1 $0x0  }
0x14: {  	s2 =	sld [smem:$0x3F92];
	s0 =	simm.s32 @p1 $0x1  }
0x15: {  	[smem:$0x3FAF] =	sst s0;
	s0 =	simm.s32 @!p2 $0x0  }
0x16: {  	s3 =	sld [smem:$0x3FDB];
	s0 =	simm.s32 @p2 $0x1  }
0x17: {  	s4 =	simm.s32 $0x1BF5;
	[smem:$0x3FB1] =	sst s0  }
0x18: {  	s0 =	sld [smem:$0x3F94];
	_ =	swait.ge [sflag:s4], $0x0  }
0x19: {  	s7 =	sld [smem:$0x3F95]  }
0x1a: {  	s8 =	sadd.s32 $0xFFFFE003, lr  }
0x1b: {  	s9 =	sadd.s32 $0xFFFFFEF7, lr;
	s5 =	simm.s32 $0xFFFFFFFF;
	p2 =	slt.u32 s8, $0xFFFFF086  }
0x1c: {  	p1 =	slt.u32 s9, $0xF7A;
	s5 =	simm.s32 @!p2 $0x0  }
0x1d: {  	s5 =	simm.s32 @p1 $0x1;
	p0 =	seq.s32 s7, s2  }
0x1e: {  	s7 =	smul.u32 @!p0 $0xF7A, s2;
	p2 =	seq.s32 @!p0 s5, $0x0  }
0x1f: {  	s9 =	smul.u32 $0xF7A, s1;
	s8 =	simm.s32 @!p0 $0x1BF5;
	p2 =	por !p2, p0  }
0x20: {  	[sflag:s8] =	ssyncset.s32 @!p0 $0xFFFFF086;
	s6 =	sadd.s32 @!p0 s3, s7;
	s7 =	simm.s32 @!p0 $0x108  }
0x21: {  	s3 =	sadd.s32 s3, s9;
	s6 =	sadd.s32 @!p0 $0x88, s6;
	s7 =	simm.s32 @p2 $0x1082  }
0x22: {  	[simem:s7], [sflag:s8] =	dma.local @!p0 [hbm:s6], $0xF7A  }
0x23: {  	s9 =	sor.u32 $0xD0000000, s2;
	s6 =	simm.s32 $0x108;
	_ =	swait.ge @!p0 [sflag:s8], $0x0  }
0x24: {  	s3 =	sadd.s32 $0x88, s3;
	s6 =	simm.s32 @!p1 $0x1082;
	[sflag:s4] =	ssyncset.s32 $0xFFFFF086  }
0x25: {  	[simem:s6], [sflag:s4] =	dma.local [hbm:s3], $0xF7A  }
0x26: {  	[smem:$0x3F95] =	sst s1;
	(tag) =	ssettag s2;
	_ =	strace s9  }
0x27: {  	s1 =	sld [smem:$0x3FA5]  }
0x28: {  	s2 =	sld [smem:$0x3FA6]  }
0x29: {  	s4 =	sld [smem:$0x3FA8]  }
0x2a: {  	p0 =	seq.s32 s5, $0x0;
	s5 =	sld [smem:$0x3FA9]  }
0x2b: {  	s6 =	sld [smem:$0x3FAA]  }
0x2c: {  	s7 =	sld [smem:$0x3FAB]  }
0x2d: {  	s3 =	simm.s32 $0x108;
	s8 =	sld [smem:$0x3FAC]  }
0x2e: {  	s3 =	simm.s32 @!p0 $0x1082;
	s9 =	sld [smem:$0x3FAD]  }
0x2f: {  	lr =	sadd.s32 s0, s3;
	s0 =	sld [smem:$0x3FA4]  }
0x30: {  	s3 =	sld [smem:$0x3FA7]  }
0x31: {  	[smem:$0x3FB0] =	sst s10  }
0x32: {  	s10 =	sld [smem:$0x3FAE];
	_ =	sdelay $0x3  }
0x33: {  	p0 =	seq.s32 s10, $0x1;
	s10 =	sld [smem:$0x3FB0];
	_ =	sdelay $0x3  }
0x34: {  	[smem:$0x3FB0] =	sst s10  }
0x35: {  	s10 =	sld [smem:$0x3FAF];
	_ =	sdelay $0x3  }
0x36: {  	p1 =	seq.s32 s10, $0x1;
	s10 =	sld [smem:$0x3FB0];
	_ =	sdelay $0x3  }
0x37: {  	[smem:$0x3FB0] =	sst s10  }
0x38: {  	s10 =	sld [smem:$0x3FB1]  }
0x39: {  	_ = 	snop;
	(pc) =	sbr.ind lr, $3  }
0x3a: {  	_ = 	snop  }
0x3b: {  	_ = 	snop  }
0x3c: {  	p2 =	seq.s32 s10, $0x1;
	s10 =	sld [smem:$0x3FB0]  }
0x3d: {  	_ =	shalt  }
0x3e: {  	_ =	shalt  }
0x3f: {  	_ =	shalt  }
0x40: {  	_ =	shalt  }
0x41: {  	_ =	shalt  }
0x42: {  	_ =	shalt  }
0x43: {  	_ =	shalt  }
0x44: {  	_ =	shalt  }
0x45: {  	_ =	shalt  }
0x46: {  	_ =	shalt  }
0x47: {  	_ =	shalt  }
0x48: {  	_ =	shalt  }
0x49: {  	_ =	shalt  }
0x4a: {  	_ =	shalt  }
0x4b: {  	_ =	shalt  }
0x4c: {  	_ =	shalt  }
0x4d: {  	_ =	shalt  }
0x4e: {  	_ =	shalt  }
0x4f: {  	_ =	shalt  }
0x50: {  	_ =	shalt  }
0x51: {  	_ =	shalt  }
0x52: {  	_ =	shalt  }
0x53: {  	_ =	shalt  }
0x54: {  	_ =	shalt  }
0x55: {  	_ =	shalt  }
0x56: {  	_ =	shalt  }
0x57: {  	_ =	shalt  }
0x58: {  	_ =	shalt  }
0x59: {  	_ =	shalt  }
0x5a: {  	_ =	shalt  }
0x5b: {  	_ =	shalt  }
0x5c: {  	_ =	shalt  }
0x5d: {  	_ =	shalt  }
0x5e: {  	_ =	shalt  }
0x5f: {  	_ =	shalt  }
0x60: {  	_ =	shalt  }
0x61: {  	_ =	shalt  }
0x62: {  	_ =	shalt  }
0x63: {  	_ =	shalt  }
0x64: {  	_ =	shalt  }
0x65: {  	_ =	shalt  }
0x66: {  	_ =	shalt  }
0x67: {  	_ =	shalt  }
0x68: {  	_ =	shalt  }
0x69: {  	_ =	shalt  }
0x6a: {  	_ =	shalt  }
0x6b: {  	_ =	shalt  }
0x6c: {  	_ =	shalt  }
0x6d: {  	_ =	shalt  }
0x6e: {  	_ =	shalt  }
0x6f: {  	_ =	shalt  }
0x70: {  	_ =	shalt  }
0x71: {  	_ =	shalt  }
0x72: {  	_ =	shalt  }
0x73: {  	_ =	shalt  }
0x74: {  	_ =	shalt  }
0x75: {  	_ =	shalt  }
0x76: {  	_ =	shalt  }
0x77: {  	_ =	shalt  }
0x78: {  	_ =	shalt  }
0x79: {  	_ =	shalt  }
0x7a: {  	_ =	shalt  }
0x7b: {  	_ =	shalt  }
0x7c: {  	_ =	shalt  }
0x7d: {  	_ =	shalt  }
0x7e: {  	_ =	shalt  }
0x7f: {  	_ =	shalt  }
0x80: {  	_ =	shalt  }
0x81: {  	_ =	shalt  }
0x82: {  	_ =	shalt  }
0x83: {  	_ =	shalt  }
0x84: {  	_ =	shalt  }
0x85: {  	_ =	shalt  }
0x86: {  	_ =	shalt  }
0x87: {  	_ =	shalt  }
.Lfunc_end0:
.L_simem_size_0:
called_computation.3_lowered:
.L_overlay_start_0:
0x88: {  	s2 =	sld [smem:$0x3FD9]  }
0x89: {  	s3 =	sld [smem:$0x3FFE];
	_ =	sdelay $0x1  }
0x8a: {  	s1 =	srdreg.scid  }
0x8b: {  	s0 =	sand.u32 $0x1, s1  }
0x8c: {  	s16 =	sshll.u32 s0, $0xA;
	s2 =	sadd.s32 s3, s2  }
0x8d: {  	s2 =	sadd.s32 s2, s16  }
0x8e: {  	[smem:$0x3FBC] =	sst s2  }
0x8f: {  	_ = 	snop  }
0x90: {  	(tm) =	ssettm $0x1  }
0x91: {  	s17 =	sld [smem:$0x3FFB];
	_ =	sdelay $0x3  }
0x92: {  	_ =	strace s17  }
0x93: {  	s2 =	sld [smem:$0x3FFC];
	_ =	sdelay $0x3  }
0x94: {  	_ =	strace s2  }
0x95: {  	s2 =	sld [smem:$0x3FFD];
	_ =	sdelay $0x3  }
0x96: {  	_ =	strace s2  }
0x97: {  	_ =	strace $0x8FFFFFFF  }
0x98: {  	s18 =	sld [smem:$0x3FDB];
	_ =	sdelay $0x1  }
0x99: {  	s19 =	simm.s32 $_scs_section_size  }
0x9a: {  	s4 =	simm.s32 $_size__tile_overlayer_lowered;
	s5 =	simm.s32 $_tile_overlayer_lowered  }
0x9b: {  	s22 =	simm.s32 $0x1BFF;
	s21 =	sshll.u32 s5, $0x1;
	s2 =	sadd.s32 s19, s18  }
0x9c: {  	s6 =	simm.s32 $0x0;
	s20 =	sshll.u32 s4, $0x1;
	s4 =	sadd.s32 s21, s2  }
0x9d: {  	[timem:s6], [sflag:s22] =	dma.local [hbm:s4], s20  }
0x9e: {  	_ =	swait.ge [sflag:s22], s20  }
0x9f: {  	s3 =	ssub.s32 $0x0, s20;
	[sflag:s22] =	ssyncset.done $0x0  }
0xa0: {  	[sflag:s22] =	ssyncadd.s32 s3;
	_ =	sdelay $0x1  }
0xa1: {  	s23 =	simm.s32 $0x1B8B  }
0xa2: {  	_ =	swait.ge [sflag:s23], $0x1  }
0xa3: {  	[sflag:s23] =	ssyncset.done $0x0  }
0xa4: {  	s25 =	simm.s32 $0x1B8E;
	s24 =	sld [smem:$0x3FFE];
	[sflag:s23] =	ssyncadd.s32 $0xFFFFFFFF  }
0xa5: {  	s26 =	simm.s32 $execute0_lowered;
	[smem:$0x3FD2] =	sst s25  }
0xa6: {  	s4 =	sshll.u32 s26, $0x1;
	_ =	strace $0x8000004F;
	[dreg:$0x1] =	wrdreg $0xFFFFFFFF  }
0xa7: {  	s28 =	simm.s32 $_size_execute0_lowered;
	s2 =	sadd.s32 s2, s4;
	[dreg:$0x0] =	wrdreg $0x0  }
0xa8: {  	s4 =	sshll.u32 s28, $0x1;
	[dreg:$0x2] =	wrdreg s2  }
0xa9: {  	[dreg:$0x3] =	wrdreg s4  }
0xaa: {  	[dreg:$0x4] =	wrdreg $0xC0  }
0xab: {  	_ =	task [dreg:s6], $0x5FFFF  }
0xac: {  	[dreg:$0x1] =	wrdreg $0xFFFFFFFF  }
0xad: {  	[dreg:$0x0] =	wrdreg $0x60  }
0xae: {  	[dreg:$0x2] =	wrdreg s24  }
0xaf: {  	[dreg:$0x3] =	wrdreg $0x70000  }
0xb0: {  	[dreg:$0x4] =	wrdreg $0xBF000  }
0xb1: {  	[dreg:$0x5] =	wrdreg $0x9  }
0xb2: {  	_ =	task.clear_ibuf [dreg:s6], $0x6FFFF;
	_ =	strace $0x9000004F  }
0xb3: {  	s29 =	simm.s32 $0x9;
	_ =	strace $0x80000051  }
0xb4: {  	_ =	swait.ge [sflag:s29], $0x1  }
0xb5: {  	[sflag:s29] =	ssyncadd.s32 $0xFFFFFFFF  }
0xb6: {  	_ =	strace $0x90000051  }
0xb7: {  	_ =	sfence  }
0xb8: {  	s30 =	sld [smem:$0x0];
	_ =	sdelay $0x2  }
0xb9: {  	s31 =	sshll.u32 s1, $0xD;
	s1 =	sshrl.u32 s1, $0x2  }
0xba: {  	s3 =	sand.u32 $0x4000, s31;
	s1 =	sadd.s32 s1, s30  }
0xbb: {  	s0 =	sor.u32 s3, s0;
	s1 =	sshll.u32 s1, $0x11  }
0xbc: {  	s0 =	sor.u32 s1, s0  }
0xbd: {  	s0 =	sadd.s32 $0x8F2B, s0  }
0xbe: {  	[sflag:s0] =	ssyncadd.remote.s32 $0x1  }
0xbf: {  	_ =	sfence.sel $0xFFFF  }
0xc0: {  	[dreg:$0x0] =	wrdreg $0xFFFFFFFF;
	(pc) =	sbr.abs _section_cstart, $3  }
0xc1: {  	[dreg:$0x1] =	wrdreg $0xFFFFFFFF  }
0xc2: {  	_ =	task.clear_ibuf [dreg:s6], $0x2FFFF;
	_ =	strace $0x9FFFFFFF  }
0xc3: {  	(tm) =	ssettm $0x7FFFFFFF  }
tec
execute0_lowered:
.L_overlay_start_1:
0x0: {  	(tag) =	ssettag $0x1  }
0x1: {  	s6 =	rddreg [dreg:$0x0]  }
0x2: {  	s2 =	rddreg [dreg:$0x1]  }
0x3: {  	s0 =	srdreg.scid;
	s3 =	rddreg [dreg:$0x2];
	s4 =	simm.s32 $0x0  }
0x4: {  	s12 =	simm.s32 $0x2800;
	s16 =	simm.s32 $0x80;
	s17 =	simm.s32 $0x5000  }
0x5: {  	s18 =	simm.s32 $0x6000;
	s19 =	simm.s32 $0x1;
	s20 =	simm.s32 $0x2  }
0x6: {  	s21 =	simm.s32 $0x2780;
	s22 =	simm.s32 $0x4F00;
	s23 =	simm.s32 $0x4F80  }
0x7: {  	s24 =	simm.s32 $0x0;
	s5 =	sand.u32 $0x1, s0;
	s0 =	stileid.u32  }
0x8: {  	[smem:$0x7FF] =	sst s4;
	s1 =	sshll.u32 s5, $0x4;
	s8 =	smul.u32 $0x4F00, s0  }
0x9: {  	s9 =	smul.u32 $0x4F000, s5;
	s5 =	ssub.s32 $0x2, s5;
	s13 =	sshll.u32 s0, $0x6  }
0xa: {  	s1 =	sor.u32 s0, s1;
	s31 =	sshrl.u32 s5, $0x1;
	s13 =	sor.u32 $0x1C03, s13  }
0xb: {  	s7 =	smul.u32 $0x500, s1;
	s1 =	rddreg [dreg:$0x3];
	_ =	strace $0x80000050  }
0xc: {  	s9 =	sadd.s32 s8, s9;
	s10 =	sshrl.u32 s8, $0x3;
	s11 =	ssub.s32 s5, s31  }
0xd: {  	s14 =	sadd.s32 s8, s2;
	s15 =	sadd.s32 s8, s3;
	s9 =	sshrl.u32 s9, $0x3  }
0xe: {  	s10 =	sadd.s32 s10, s6;
	s14 =	sshrl.u32 s14, $0x3;
	s15 =	sshrl.u32 s15, $0x3  }
0xf: {  	s7 =	sadd.s32 s7, s6;
	s9 =	sadd.s32 s9, s6;
	s8 =	sadd.s32 $0x18200, s10  }
0x10: {  	s5 =	sadd.s32 $0xE200, s7;
	s6 =	sadd.s32 $0x4200, s7;
	s7 =	sadd.s32 $0x22000, s10  }
0x11: {  	s9 =	sadd.s32 $0x2BE00, s9;
	s10 =	smax.u32 s11, $0x1;
	s11 =	simm.s32 $0x3  }
.LBB2_1:
0x12: {  	[tilespmem:s4], [sflag:$0x3] =	stream.linear.gather [hbm4b:s5+s4], $0x2800, $0x38;
	[tilespmem:$0x10E00] =	vst v63  }
0x13: {  	_ =	swait.ge [sflag:s11], $0x2800  }
0x14: {  	[sflag:s11] =	ssyncset.done $0x0  }
0x15: {  	[sflag:s11] =	ssyncadd.s32 $0xFFFFD800  }
0x16: {  	[tilespmem:s12], [sflag:$0x3] =	stream.linear.gather [hbm4b:s6+s4], $0x2800, $0x38;
	[tilespmem:$0x10E00] =	vst v63  }
0x17: {  	_ =	swait.ge [sflag:s11], $0x2800  }
0x18: {  	[sflag:s11] =	ssyncset.done $0x0  }
0x19: {  	[sflag:s11] =	ssyncadd.s32 $0xFFFFD800  }
0x1a: {  	[spmem:s14], [sflag:s13] =	dma.local [hbm:s7], $0x9E0  }
0x1b: {  	_ =	swait.ge [sflag:s11], $0x9E0  }
0x1c: {  	[sflag:s11] =	ssyncset.done $0x0  }
0x1d: {  	[sflag:s11] =	ssyncadd.s32 $0xFFFFF620  }
0x1e: {  	[spmem:s15], [sflag:s13] =	dma.local [hbm:s8], $0x9E0  }
0x1f: {  	_ =	swait.ge [sflag:s11], $0x9E0  }
0x20: {  	[sflag:s11] =	ssyncset.done $0x0  }
0x21: {  	[sflag:s11] =	ssyncadd.s32 $0xFFFFF620  }
0x22: {  	[bflag:$0x0] =	sbarrier.arrive $0xFFFF  }
0x23: {  	[tilespmem:s17], [sflag:$0x1] =	stream.indirect.gather [spmem:s2], $0x20, s4, s16, $0xb8;
	[tilespmem:$0x10E00] =	vst v63  }
0x24: {  	s25 =	simm.s32 $0x80  }
0x25: {  	[tilespmem:s18], [sflag:$0x2] =	stream.indirect.gather [spmem:s2], $0x20, s25, s16, $0xb8;
	[tilespmem:$0x10E00] =	vst v63  }
0x26: {  	_ =	swait.ge [sflag:s19], $0x1000  }
0x27: {  	[sflag:s19] =	ssyncset.done $0x0  }
0x28: {  	s29 =	simm.s32 $0x2800;
	[sflag:s19] =	ssyncadd.s32 $0xFFFFF000  }
0x29: {  	[spmem:s3] =	stream.indirect.scatter.add.f32 [tilespmem:s17], [sflag:$0x3], $0x20, s29, s16, $0xb8;
	[tilespmem:$0x10E00] =	vst v63  }
0x2a: {  	_ =	swait.ge [sflag:s11], $0x1000  }
0x2b: {  	[sflag:s11] =	ssyncset.done $0x0  }
0x2c: {  	s30 =	simm.s32 $0x100;
	[sflag:s11] =	ssyncadd.s32 $0xFFFFF000  }
0x2d: {  	[tilespmem:s17], [sflag:$0x1] =	stream.indirect.gather [spmem:s2], $0x20, s30, s16, $0xb8;
	[tilespmem:$0x10E00] =	vst v63  }
0x2e: {  	_ =	swait.ge [sflag:s20], $0x1000  }
0x2f: {  	[sflag:s20] =	ssyncset.done $0x0  }
0x30: {  	s31 =	simm.s32 $0x2880;
	[sflag:s20] =	ssyncadd.s32 $0xFFFFF000  }
0x31: {  	[spmem:s3] =	stream.indirect.scatter.add.f32 [tilespmem:s18], [sflag:$0x3], $0x20, s31, s16, $0xb8;
	[tilespmem:$0x10E00] =	vst v63  }
0x32: {  	_ =	swait.ge [sflag:s11], $0x1000  }
0x33: {  	s26 =	simm.s32 $0x800;
	s25 =	simm.s32 $0x100;
	[sflag:s11] =	ssyncset.done $0x0  }
.LBB2_2:
0x34: {  	s28 =	sadd.s32 $0x80, s25  }
0x35: {  	[sflag:s11] =	ssyncadd.s32 $0xFFFFF000;
	s29 =	smov.u32 s26;
	s30 =	sadd.s32 $0x400, s26  }
0x36: {  	[tilespmem:s18], [sflag:$0x2] =	stream.indirect.gather [spmem:s2], $0x20, s28, s16, $0xb8;
	[tilespmem:$0x10E00] =	vst v63  }
0x37: {  	p0 =	sne.s32 s26, $0x9800;
	_ =	swait.ge [sflag:s19], $0x1000  }
0x38: {  	[sflag:s19] =	ssyncset.done $0x0  }
0x39: {  	s26 =	sadd.s32 $0x2800, s25;
	[sflag:s19] =	ssyncadd.s32 $0xFFFFF000  }
0x3a: {  	[spmem:s3] =	stream.indirect.scatter.add.f32 [tilespmem:s17], [sflag:$0x3], $0x20, s26, s16, $0xb8;
	[tilespmem:$0x10E00] =	vst v63  }
0x3b: {  	_ =	swait.ge [sflag:s11], $0x1000  }
0x3c: {  	[sflag:s11] =	ssyncset.done $0x0  }
0x3d: {  	s26 =	sadd.s32 $0x100, s25;
	[sflag:s11] =	ssyncadd.s32 $0xFFFFF000  }
0x3e: {  	[tilespmem:s17], [sflag:$0x1] =	stream.indirect.gather [spmem:s2], $0x20, s26, s16, $0xb8;
	[tilespmem:$0x10E00] =	vst v63  }
0x3f: {  	_ =	swait.ge [sflag:s20], $0x1000  }
.Ltmp0:
0x40: {  	[sflag:s20] =	ssyncset.done $0x0;
	(pc) =	sbr.rel @p0 .LBB2_2-.Ltmp0, $4  }
0x41: {  	s25 =	sadd.s32 $0x2880, s25;
	[sflag:s20] =	ssyncadd.s32 $0xFFFFF000  }
0x42: {  	[spmem:s3] =	stream.indirect.scatter.add.f32 [tilespmem:s18], [sflag:$0x3], $0x20, s25, s16, $0xb8;
	[tilespmem:$0x10E00] =	vst v63  }
0x43: {  	_ =	swait.ge [sflag:s11], $0x1000  }
0x44: {  	s26 =	smov.u32 s30;
	s25 =	sshra.s32 s29, $0x2;
	[sflag:s11] =	ssyncset.done $0x0  }
0x45: {  	s26 =	sadd.s32 $0x80, s25;
	[sflag:s11] =	ssyncadd.s32 $0xFFFFF000  }
0x46: {  	[tilespmem:s18], [sflag:$0x2] =	stream.indirect.gather [spmem:s2], $0x20, s26, s16, $0xb8;
	[tilespmem:$0x10E00] =	vst v63  }
0x47: {  	_ =	swait.ge [sflag:s19], $0x1000  }
0x48: {  	[sflag:s19] =	ssyncset.done $0x0  }
0x49: {  	s29 =	sadd.s32 $0x2800, s25;
	[sflag:s19] =	ssyncadd.s32 $0xFFFFF000  }
0x4a: {  	[spmem:s3] =	stream.indirect.scatter.add.f32 [tilespmem:s17], [sflag:$0x3], $0x20, s29, s16, $0xb8;
	[tilespmem:$0x10E00] =	vst v63  }
0x4b: {  	_ =	swait.ge [sflag:s11], $0x1000  }
0x4c: {  	[sflag:s11] =	ssyncset.done $0x0  }
0x4d: {  	s30 =	sadd.s32 $0x100, s25;
	[sflag:s11] =	ssyncadd.s32 $0xFFFFF000  }
0x4e: {  	[tilespmem:s17], [sflag:$0x1] =	stream.indirect.gather [spmem:s2], $0x20, s30, s16, $0xb8;
	[tilespmem:$0x10E00] =	vst v63  }
0x4f: {  	_ =	swait.ge [sflag:s20], $0x1000  }
0x50: {  	[sflag:s20] =	ssyncset.done $0x0  }
0x51: {  	s31 =	sadd.s32 $0x2880, s25;
	[sflag:s20] =	ssyncadd.s32 $0xFFFFF000  }
0x52: {  	[spmem:s3] =	stream.indirect.scatter.add.f32 [tilespmem:s18], [sflag:$0x3], $0x20, s31, s16, $0xb8;
	[tilespmem:$0x10E00] =	vst v63  }
0x53: {  	_ =	swait.ge [sflag:s11], $0x1000  }
0x54: {  	[sflag:s11] =	ssyncset.done $0x0  }
0x55: {  	[sflag:s11] =	ssyncadd.s32 $0xFFFFF000  }
0x56: {  	[tilespmem:s18], [sflag:$0x2] =	stream.indirect.gather [spmem:s2], $0x20, s21, s16, $0xb8;
	[tilespmem:$0x10E00] =	vst v63  }
0x57: {  	_ =	swait.ge [sflag:s19], $0x1000  }
0x58: {  	[sflag:s19] =	ssyncset.done $0x0  }
0x59: {  	[sflag:s19] =	ssyncadd.s32 $0xFFFFF000  }
0x5a: {  	[spmem:s3] =	stream.indirect.scatter.add.f32 [tilespmem:s17], [sflag:$0x3], $0x20, s22, s16, $0xb8;
	[tilespmem:$0x10E00] =	vst v63  }
0x5b: {  	_ =	swait.ge [sflag:s11], $0x1000  }
0x5c: {  	[sflag:s11] =	ssyncset.done $0x0  }
0x5d: {  	[sflag:s11] =	ssyncadd.s32 $0xFFFFF000  }
0x5e: {  	[tilespmem:s17], [sflag:$0x1] =	stream.indirect.gather [spmem:s2], $0x20, s21, s16, $0xb8;
	[tilespmem:$0x10E00] =	vst v63  }
0x5f: {  	_ =	swait.ge [sflag:s20], $0x1000  }
0x60: {  	[sflag:s20] =	ssyncset.done $0x0  }
0x61: {  	[sflag:s20] =	ssyncadd.s32 $0xFFFFF000  }
0x62: {  	[spmem:s3] =	stream.indirect.scatter.add.f32 [tilespmem:s18], [sflag:$0x3], $0x20, s23, s16, $0xb8;
	[tilespmem:$0x10E00] =	vst v63  }
0x63: {  	_ =	swait.ge [sflag:s11], $0x1000  }
0x64: {  	[sflag:s11] =	ssyncset.done $0x0  }
0x65: {  	[sflag:s11] =	ssyncadd.s32 $0xFFFFF000  }
0x66: {  	_ =	swait.ge [sflag:s19], $0x1000  }
0x67: {  	s24 =	sadd.s32 $0x1, s24;
	[sflag:s19] =	ssyncset.done $0x0  }
0x68: {  	p0 =	sne.s32 s24, s10;
	[sflag:s19] =	ssyncadd.s32 $0xFFFFF000  }
.Ltmp1:
0x69: {  	[bflag:$0x0] =	sbarrier.arrive $0xFFFF;
	(pc) =	sbr.rel @p0 .LBB2_1-.Ltmp1, $4  }
0x6a: {  	[hbm:s9], [sflag:s13] =	dma.local [spmem:s15], $0x9E0  }
0x6b: {  	_ =	swait.ge [sflag:s11], $0x9E0  }
0x6c: {  	[sflag:s11] =	ssyncset.done $0x0  }
0x6d: {  	[sflag:s11] =	ssyncadd.s32 $0xFFFFF620  }
0x6e: {  	_ =	sfence.sel $0x180000  }
0x6f: {  	[bflag:$0x0] =	sbarrier.arrive $0xFFFF  }
0x70: {  	p0 =	sne.s32 s0, $0x0;
	_ =	strace $0x90000050  }
0x71: {  	s0 =	sadd.s32 @!p0 $0x100000, s1;
	[bflag:$0x2] =	sbarrier.arrive $0xFFFF  }
0x72: {  	[sflag:s0] =	ssyncadd.tile.s32 @!p0 $0x1;
	_ =	shalt  }
.Lfunc_end2:
_tile_overlayer_lowered:
.L_overlay_start_2:
0x73: {  	(tag) =	ssettag $0x2  }
0x74: {  	s0 =	rddreg [dreg:$0x0];
	s2 =	stileid.u32  }
0x75: {  	s1 =	rddreg [dreg:$0x1];
	p0 =	sne.s32 s2, $0x0  }
0x76: {  	s3 =	rddreg [dreg:$0x2];
	[bflag:$0x3] =	sbarrier.arrive $0xFFFF;
	s2 =	simm.s32 @!p0 $0x1C03  }
0x77: {  	[timem:s3], [sflag:s2] =	dma.local @!p0 [hbm:s0], s1  }
0x78: {  	s0 =	simm.s32 @!p0 $0x3  }
0x79: {  	_ =	swait.ge @!p0 [sflag:s0], s1  }
0x7a: {  	s1 =	ssub.s32 @!p0 $0x0, s1;
	[sflag:s0] =	ssyncset.done @!p0 $0x0  }
0x7b: {  	[sflag:s0] =	ssyncadd.s32 @!p0 s1  }
0x7c: {  	[bflag:$0x3] =	sbarrier.arrive $0xFFFF  }
0x7d: {  	_ =	shalt  }

</sc_bundles>
